<compile_context>
chip_gen: v7x
topology: tpu7x:2x2x1
jax: 0.10.2.dev20260603
libtpu: 0.0.44.dev20260713+nightly
codegen_flags: <defaults>
</compile_context>

<pallas_src>
import functools
import jax
import jax.numpy as jnp
from jax import lax
from jax.experimental import pallas as pl
from jax.experimental.pallas import tpu as pltpu
from jax.experimental.pallas import tpu_sc as plsc

_N = 10000
_E = 320000
_H = 64

_NC = 2
_NS = 16
_NW = _NC * _NS
_EPW = _E // _NW
_C = 80
_NCH = _EPW // _C
_ZR = 80
_NB = _N // _ZR

_SELU_ALPHA = 1.6732632423543772
_SELU_SCALE = 1.0507009873554805


def _selu(x):
    return _SELU_SCALE * jnp.where(x > 0, x, _SELU_ALPHA * (jnp.exp(x) - 1.0))


def _leaky(x):
    return jnp.where(x >= 0, x, 0.2 * x)



def _prep_body(x_ref, w_ref, al_ref, ar_ref, h_ref, el_ref, er_ref, m_ref):
    h = jnp.dot(x_ref[...], w_ref[...], preferred_element_type=jnp.float32)
    h_ref[...] = h
    el = jnp.dot(h, al_ref[...], preferred_element_type=jnp.float32)
    er = jnp.dot(h, ar_ref[...], preferred_element_type=jnp.float32)
    el_ref[...] = el
    er_ref[...] = er
    m_ref[...] = jnp.reshape(_leaky(jnp.max(el) + jnp.max(er)), (1, 1))


def _prep(x, w, al2, ar2):
    d = x.shape[1]
    return pl.pallas_call(
        _prep_body,
        out_shape=[
            jax.ShapeDtypeStruct((_N, _H), jnp.float32),
            jax.ShapeDtypeStruct((_N, 1), jnp.float32),
            jax.ShapeDtypeStruct((_N, 1), jnp.float32),
            jax.ShapeDtypeStruct((1, 1), jnp.float32),
        ],
    )(x, w, al2, ar2)


def _mid_body(num_ref, den_ref, w_ref, al_ref, ar_ref,
              h_ref, el_ref, er_ref, m_ref):
    num = num_ref[0] + num_ref[1]
    den = jnp.sum(den_ref[...], axis=0)
    hin = _selu(num / (den[:, None] + 1e-9))
    h = jnp.dot(hin, w_ref[...], preferred_element_type=jnp.float32)
    h_ref[...] = h
    el = jnp.dot(h, al_ref[...], preferred_element_type=jnp.float32)
    er = jnp.dot(h, ar_ref[...], preferred_element_type=jnp.float32)
    el_ref[...] = el
    er_ref[...] = er
    m_ref[...] = jnp.reshape(_leaky(jnp.max(el) + jnp.max(er)), (1, 1))


def _mid(num, den, w, al2, ar2):
    return pl.pallas_call(
        _mid_body,
        out_shape=[
            jax.ShapeDtypeStruct((_N, _H), jnp.float32),
            jax.ShapeDtypeStruct((_N, 1), jnp.float32),
            jax.ShapeDtypeStruct((_N, 1), jnp.float32),
            jax.ShapeDtypeStruct((1, 1), jnp.float32),
        ],
    )(num, den, w, al2, ar2)


def _head_body(num_ref, den_ref, wg_ref, bg_ref, wf1_ref, bf1_ref,
               wf2_ref, bf2_ref, out_ref):
    num = num_ref[0] + num_ref[1]
    den = jnp.sum(den_ref[...], axis=0)
    h = _selu(num / (den[:, None] + 1e-9))
    gate = jnp.dot(h, wg_ref[...],
                   preferred_element_type=jnp.float32) + bg_ref[0, 0]
    gmax = jnp.max(gate)
    eg = jnp.exp(gate - gmax)
    attn = eg / jnp.sum(eg)
    readout = jnp.sum(attn * h, axis=0, keepdims=True)
    z = _selu(jnp.dot(readout, wf1_ref[...],
                      preferred_element_type=jnp.float32) + bf1_ref[...])
    y = jnp.dot(z, wf2_ref[...],
                preferred_element_type=jnp.float32) + bf2_ref[...]
    out_ref[...] = 1.0 / (1.0 + jnp.exp(-y))


def _head(num, den, wg, bg2, wf1, bf12, wf2, bf22):
    return pl.pallas_call(
        _head_body,
        out_shape=jax.ShapeDtypeStruct((1, 1), jnp.float32),
    )(num, den, wg, bg2, wf1, bf12, wf2, bf22)



_MESH = plsc.VectorSubcoreMesh(core_axis_name="c", subcore_axis_name="s")


@functools.partial(
    pl.kernel,
    out_type=[
        jax.ShapeDtypeStruct((_NC, _N, _H), jnp.float32),
        jax.ShapeDtypeStruct((_NW, _N), jnp.float32),
    ],
    mesh=_MESH,
    compiler_params=pltpu.CompilerParams(needs_layout_passes=False,
                                         use_tc_tiling_on_sc=False),
    scratch_types=[
        pltpu.VMEM((_N,), jnp.float32),
        pltpu.VMEM((_N,), jnp.float32),
        pltpu.VMEM((_EPW,), jnp.int32),
        pltpu.VMEM((_NCH, _C), jnp.int32),
        pltpu.VMEM((_N,), jnp.float32),
        pltpu.VMEM((_C,), jnp.float32),
        pltpu.VMEM((_C, _H), jnp.float32),
        pltpu.VMEM((_ZR, _H), jnp.float32),
        pltpu.VMEM((16,), jnp.float32),
        pltpu.SemaphoreType.DMA,
        pltpu.VMEM_SHARED((_N, _H), jnp.float32),
    ],
)
def _edge_pass(h_hbm, el_hbm, er_hbm, src_hbm, dst3_hbm, m_hbm,
               num_out, den_out,
               el_v, er_v, src_v, dst2d, den_v, w_v, rows_v, z_v,
               m_v, sem, acc):
    c = lax.axis_index("c")
    s = lax.axis_index("s")
    wid = c * _NS + s

    pltpu.sync_copy(el_hbm, el_v)
    pltpu.sync_copy(er_hbm, er_v)
    pltpu.sync_copy(m_hbm, m_v)
    pltpu.sync_copy(src_hbm.at[wid], src_v)
    pltpu.sync_copy(dst3_hbm.at[wid], dst2d)

    zeros = jnp.zeros((16,), jnp.float32)

    def _z1(i, _):
        for k in range(_H // 16):
            z_v[i, pl.ds(k * 16, 16)] = zeros
        return 0
    lax.fori_loop(0, _ZR, _z1, 0, unroll=4)

    def _z2(i, _):
        den_v[pl.ds(i * 16, 16)] = zeros
        return 0
    lax.fori_loop(0, _N // 16, _z2, 0, unroll=4)

    def _z3(k, _):
        j = k * _NS + s

        @pl.when(j < _NB)
        def _():
            pltpu.sync_copy(z_v, acc.at[pl.ds(j * _ZR, _ZR)])
        return 0
    lax.fori_loop(0, (_NB + _NS - 1) // _NS, _z3, 0)

    plsc.subcore_barrier()

    m16 = m_v[...]

    def _chunk(ci, _):
        off = ci * _C
        cop = pltpu.async_copy(h_hbm.at[src_v.at[pl.ds(off, _C)]], rows_v, sem)

        for i in range(_C // 16):
            s16 = src_v[pl.ds(off + i * 16, 16)]
            d16 = dst2d[ci, pl.ds(i * 16, 16)]
            a = plsc.load_gather(el_v, [s16])
            b = plsc.load_gather(er_v, [d16])
            w = jnp.exp(_leaky(a + b) - m16)
            w_v[pl.ds(i * 16, 16)] = w
            plsc.addupdate_scatter(den_v, [d16], w)

        cop.wait()

        def _scale(r, _):
            ws = plsc.load_gather(w_v, [jnp.full((16,), r, jnp.int32)])
            for k in range(_H // 16):
                v = rows_v[r, pl.ds(k * 16, 16)]
                rows_v[r, pl.ds(k * 16, 16)] = v * ws
            return 0
        lax.fori_loop(0, _C, _scale, 0)

        pltpu.sync_copy(rows_v, acc.at[dst2d.at[ci]], add=True)
        return 0

    lax.fori_loop(0, _NCH, _chunk, 0)

    plsc.subcore_barrier()

    pltpu.sync_copy(den_v, den_out.at[wid])

    def _dump(k, _):
        j = k * _NS + s

        @pl.when(j < _NB)
        def _():
            o = j * _ZR
            pltpu.sync_copy(acc.at[pl.ds(o, _ZR)],
                            num_out.at[c, pl.ds(o, _ZR)])
        return 0
    lax.fori_loop(0, (_NB + _NS - 1) // _NS, _dump, 0)



def kernel(x, W1, al1, ar1, W2, al2, ar2, Wg, bg, Wf1, bf1, Wf2, bf2,
           edge_index):
    src = edge_index[0].reshape(_NW, _EPW)
    dst3 = edge_index[1].reshape(_NW, _NCH, _C)

    h1, el1, er1, m1 = _prep(x, W1, al1.reshape(_H, 1), ar1.reshape(_H, 1))
    m1v = jnp.broadcast_to(m1.reshape(()), (16,))
    num1, den1 = _edge_pass(h1, el1.reshape(_N), er1.reshape(_N),
                            src, dst3, m1v)

    h2, el2, er2, m2 = _mid(num1, den1, W2,
                            al2.reshape(_H, 1), ar2.reshape(_H, 1))
    m2v = jnp.broadcast_to(m2.reshape(()), (16,))
    num2, den2 = _edge_pass(h2, el2.reshape(_N), er2.reshape(_N),
                            src, dst3, m2v)

    return _head(num2, den2, Wg, bg.reshape(1, 1), Wf1,
                 bf1.reshape(1, _H // 2), Wf2, bf2.reshape(1, 1))

# --- scband reference (transcript-rebuilt; emitter-appended) ---
"""Pipeline reference for scband-modified-gcnfn-9990093930997 (READ-ONLY COPY).

The authoritative reference and input builder live on the scoring server;
editing this copy changes nothing except your own understanding.
"""

import jax, jax.numpy as jnp
import numpy as np

N = 10000
E = 320000
D_IN = 128
H = 64

def setup_inputs(seed: int = 0):
    key = jax.random.key(seed)
    ks = jax.random.split(key, 12)
    x = jax.random.normal(ks[0], (N, D_IN), dtype=jnp.float32)
    edge_index = jax.random.randint(ks[1], (2, E), 0, N, dtype=jnp.int32)
    W1 = jax.random.normal(ks[2], (D_IN, H), dtype=jnp.float32) * (1.0 / np.sqrt(D_IN))
    al1 = jax.random.normal(ks[3], (H,), dtype=jnp.float32) * 0.1
    ar1 = jax.random.normal(ks[4], (H,), dtype=jnp.float32) * 0.1
    W2 = jax.random.normal(ks[5], (H, H), dtype=jnp.float32) * (1.0 / np.sqrt(H))
    al2 = jax.random.normal(ks[6], (H,), dtype=jnp.float32) * 0.1
    ar2 = jax.random.normal(ks[7], (H,), dtype=jnp.float32) * 0.1
    Wg = jax.random.normal(ks[8], (H, 1), dtype=jnp.float32) * (1.0 / np.sqrt(H))
    bg = jnp.zeros((1,), dtype=jnp.float32)
    Wf1 = jax.random.normal(ks[9], (H, H // 2), dtype=jnp.float32) * (1.0 / np.sqrt(H))
    bf1 = jnp.zeros((H // 2,), dtype=jnp.float32)
    Wf2 = jax.random.normal(ks[10], (H // 2, 1), dtype=jnp.float32) * (1.0 / np.sqrt(H // 2))
    bf2 = jnp.zeros((1,), dtype=jnp.float32)
    return {"x": x, "W1": W1, "al1": al1, "ar1": ar1, "W2": W2, "al2": al2, "ar2": ar2,
            "Wg": Wg, "bg": bg, "Wf1": Wf1, "bf1": bf1, "Wf2": Wf2, "bf2": bf2,
            "edge_index": edge_index}

def _gat_layer(h_in, W, a_l, a_r, src, dst, n_nodes):
    # DGL GATConv, num_heads=1: h = W x; e_ij = LeakyReLU(a_l.h_src + a_r.h_dst)
    # alpha = softmax over incoming edges per dst; out = sum alpha * h_src
    h = h_in @ W
    el = h @ a_l
    er = h @ a_r
    e = jax.nn.leaky_relu(el[src] + er[dst], negative_slope=0.2)
    e_max = jax.ops.segment_max(e, dst, num_segments=n_nodes)
    e_max = jax.lax.stop_gradient(jnp.where(jnp.isfinite(e_max), e_max, 0.0))
    ex = jnp.exp(e - e_max[dst])
    denom = jax.ops.segment_sum(ex, dst, num_segments=n_nodes)
    alpha = ex / (denom[dst] + 1e-9)
    return jax.ops.segment_sum(alpha[:, None] * h[src], dst, num_segments=n_nodes)

def reference(x, W1, al1, ar1, W2, al2, ar2, Wg, bg, Wf1, bf1, Wf2, bf2, edge_index):
    src = edge_index[0]
    dst = edge_index[1]
    h = jax.nn.selu(_gat_layer(x, W1, al1, ar1, src, dst, N))
    h = jax.nn.selu(_gat_layer(h, W2, al2, ar2, src, dst, N))
    # GlobalAttentionPooling: gate = Linear(h); softmax over nodes; weighted sum
    gate = h @ Wg + bg
    attn = jax.nn.softmax(gate, axis=0)
    readout = jnp.sum(attn * h, axis=0, keepdims=True)
    z = jax.nn.selu(readout @ Wf1 + bf1)
    return jax.nn.sigmoid(z @ Wf2 + bf2)

if __name__ == "__main__":
    import jax
    _d = setup_inputs()
    print(jax.jit(kernel)(*tuple(_d.values())))

</pallas_src>

<mosaic_0001>
#map = affine_map<(d0, d1) -> (0, 0)>
#map1 = affine_map<(d0, d1) -> (0)>
#map2 = affine_map<(d0, d1) -> (0, 0, 0)>
module attributes {stable_mosaic.version = 14 : i64} {
  func.func @_edge_pass(%arg0: i32, %arg1: i32, %arg2: memref<10000x64xf32, #tpu.memory_space<hbm>>, %arg3: memref<10000xf32, #tpu.memory_space<hbm>>, %arg4: memref<10000xf32, #tpu.memory_space<hbm>>, %arg5: memref<32x10000xi32, #tpu.memory_space<hbm>>, %arg6: memref<32x125x80xi32, #tpu.memory_space<hbm>>, %arg7: memref<16xf32, #tpu.memory_space<hbm>>, %arg8: memref<2x10000x64xf32, #tpu.memory_space<hbm>>, %arg9: memref<32x10000xf32, #tpu.memory_space<hbm>>, %arg10: memref<10000xf32, #tpu.memory_space<vmem>>, %arg11: memref<10000xf32, #tpu.memory_space<vmem>>, %arg12: memref<10000xi32, #tpu.memory_space<vmem>>, %arg13: memref<125x80xi32, #tpu.memory_space<vmem>>, %arg14: memref<10000xf32, #tpu.memory_space<vmem>>, %arg15: memref<80xf32, #tpu.memory_space<vmem>>, %arg16: memref<80x64xf32, #tpu.memory_space<vmem>>, %arg17: memref<80x64xf32, #tpu.memory_space<vmem>>, %arg18: memref<16xf32, #tpu.memory_space<vmem>>, %arg19: memref<!tpu.dma_semaphore, #tpu.memory_space<semaphore_mem>>, %arg20: memref<10000x64xf32, #tpu.memory_space<vmem_shared>>) attributes {dimension_semantics = [#tpu.dimension_semantics<core_parallel>, #tpu.dimension_semantics<subcore_parallel>], iteration_bounds = array<i64: 2, 16>, scalar_prefetch = 0 : i64, scratch_operands = 11 : i64, tpu.core_type = #tpu.core_type<sc_vector_subcore>, window_params = [{transform_indices = #map}, {transform_indices = #map1}, {transform_indices = #map1}, {transform_indices = #map}, {transform_indices = #map2}, {transform_indices = #map1}, {transform_indices = #map2}, {transform_indices = #map}]} {
    %mul3A = arith.constant 16 : i32
    %mul3A_0 = arith.muli %arg0, %mul3A : i32
    %add3A = arith.addi %mul3A_0, %arg1 : i32
    "tpu.region"() ({
      %run_scoped3A = tpu.sem_alloc : memref<!tpu.dma_semaphore, #tpu.memory_space<semaphore_mem>>
      tpu.enqueue_dma source(%arg3 : memref<10000xf32, #tpu.memory_space<hbm>>) target(%arg10 : memref<10000xf32, #tpu.memory_space<vmem>>) target_semaphore(%run_scoped3A : memref<!tpu.dma_semaphore, #tpu.memory_space<semaphore_mem>>)
      tpu.wait_dma2 semaphore(%run_scoped3A : memref<!tpu.dma_semaphore, #tpu.memory_space<semaphore_mem>>) src(%arg3 : memref<10000xf32, #tpu.memory_space<hbm>>) dst(%arg10 : memref<10000xf32, #tpu.memory_space<vmem>>)
      tpu.yield
    }) : () -> ()
    "tpu.region"() ({
      %run_scoped3A = tpu.sem_alloc : memref<!tpu.dma_semaphore, #tpu.memory_space<semaphore_mem>>
      tpu.enqueue_dma source(%arg4 : memref<10000xf32, #tpu.memory_space<hbm>>) target(%arg11 : memref<10000xf32, #tpu.memory_space<vmem>>) target_semaphore(%run_scoped3A : memref<!tpu.dma_semaphore, #tpu.memory_space<semaphore_mem>>)
      tpu.wait_dma2 semaphore(%run_scoped3A : memref<!tpu.dma_semaphore, #tpu.memory_space<semaphore_mem>>) src(%arg4 : memref<10000xf32, #tpu.memory_space<hbm>>) dst(%arg11 : memref<10000xf32, #tpu.memory_space<vmem>>)
      tpu.yield
    }) : () -> ()
    "tpu.region"() ({
      %run_scoped3A = tpu.sem_alloc : memref<!tpu.dma_semaphore, #tpu.memory_space<semaphore_mem>>
      tpu.enqueue_dma source(%arg7 : memref<16xf32, #tpu.memory_space<hbm>>) target(%arg18 : memref<16xf32, #tpu.memory_space<vmem>>) target_semaphore(%run_scoped3A : memref<!tpu.dma_semaphore, #tpu.memory_space<semaphore_mem>>)
      tpu.wait_dma2 semaphore(%run_scoped3A : memref<!tpu.dma_semaphore, #tpu.memory_space<semaphore_mem>>) src(%arg7 : memref<16xf32, #tpu.memory_space<hbm>>) dst(%arg18 : memref<16xf32, #tpu.memory_space<vmem>>)
      tpu.yield
    }) : () -> ()
    "tpu.region"() ({
      %run_scoped3A = tpu.sem_alloc : memref<!tpu.dma_semaphore, #tpu.memory_space<semaphore_mem>>
      %dma_start3A = arith.constant 0 : i32
      %dma_start3A_44 = tpu.memref_slice %arg5[%add3A, %dma_start3A] : memref<32x10000xi32, #tpu.memory_space<hbm>> -> memref<1x10000xi32, #tpu.memory_space<hbm>>
      %dma_start3A_45 = tpu.memref_squeeze %dma_start3A_44 : memref<1x10000xi32, #tpu.memory_space<hbm>> -> memref<10000xi32, #tpu.memory_space<hbm>>
      %dma_start3A_46 = arith.constant 0 : i32
      %dma_start3A_47 = tpu.memref_slice %arg5[%add3A, %dma_start3A_46] : memref<32x10000xi32, #tpu.memory_space<hbm>> -> memref<1x10000xi32, #tpu.memory_space<hbm>>
      %dma_start3A_48 = tpu.memref_squeeze %dma_start3A_47 : memref<1x10000xi32, #tpu.memory_space<hbm>> -> memref<10000xi32, #tpu.memory_space<hbm>>
      tpu.enqueue_dma source(%dma_start3A_48 : memref<10000xi32, #tpu.memory_space<hbm>>) target(%arg12 : memref<10000xi32, #tpu.memory_space<vmem>>) target_semaphore(%run_scoped3A : memref<!tpu.dma_semaphore, #tpu.memory_space<semaphore_mem>>)
      %dma_wait3A = arith.constant 0 : i32
      %dma_wait3A_49 = tpu.memref_slice %arg5[%add3A, %dma_wait3A] : memref<32x10000xi32, #tpu.memory_space<hbm>> -> memref<1x10000xi32, #tpu.memory_space<hbm>>
      %dma_wait3A_50 = tpu.memref_squeeze %dma_wait3A_49 : memref<1x10000xi32, #tpu.memory_space<hbm>> -> memref<10000xi32, #tpu.memory_space<hbm>>
      %dma_wait3A_51 = arith.constant 0 : i32
      %dma_wait3A_52 = tpu.memref_slice %arg5[%add3A, %dma_wait3A_51] : memref<32x10000xi32, #tpu.memory_space<hbm>> -> memref<1x10000xi32, #tpu.memory_space<hbm>>
      %dma_wait3A_53 = tpu.memref_squeeze %dma_wait3A_52 : memref<1x10000xi32, #tpu.memory_space<hbm>> -> memref<10000xi32, #tpu.memory_space<hbm>>
      tpu.wait_dma2 semaphore(%run_scoped3A : memref<!tpu.dma_semaphore, #tpu.memory_space<semaphore_mem>>) src(%dma_wait3A_53 : memref<10000xi32, #tpu.memory_space<hbm>>) dst(%arg12 : memref<10000xi32, #tpu.memory_space<vmem>>)
      tpu.yield
    }) : () -> ()
    "tpu.region"() ({
      %run_scoped3A = tpu.sem_alloc : memref<!tpu.dma_semaphore, #tpu.memory_space<semaphore_mem>>
      %dma_start3A = arith.constant 0 : i32
      %dma_start3A_44 = arith.constant 0 : i32
      %dma_start3A_45 = tpu.memref_slice %arg6[%add3A, %dma_start3A, %dma_start3A_44] : memref<32x125x80xi32, #tpu.memory_space<hbm>> -> memref<1x125x80xi32, #tpu.memory_space<hbm>>
      %dma_start3A_46 = tpu.memref_squeeze %dma_start3A_45 : memref<1x125x80xi32, #tpu.memory_space<hbm>> -> memref<125x80xi32, #tpu.memory_space<hbm>>
      %dma_start3A_47 = arith.constant 0 : i32
      %dma_start3A_48 = arith.constant 0 : i32
      %dma_start3A_49 = tpu.memref_slice %arg6[%add3A, %dma_start3A_47, %dma_start3A_48] : memref<32x125x80xi32, #tpu.memory_space<hbm>> -> memref<1x125x80xi32, #tpu.memory_space<hbm>>
      %dma_start3A_50 = tpu.memref_squeeze %dma_start3A_49 : memref<1x125x80xi32, #tpu.memory_space<hbm>> -> memref<125x80xi32, #tpu.memory_space<hbm>>
      tpu.enqueue_dma source(%dma_start3A_50 : memref<125x80xi32, #tpu.memory_space<hbm>>) target(%arg13 : memref<125x80xi32, #tpu.memory_space<vmem>>) target_semaphore(%run_scoped3A : memref<!tpu.dma_semaphore, #tpu.memory_space<semaphore_mem>>)
      %dma_wait3A = arith.constant 0 : i32
      %dma_wait3A_51 = arith.constant 0 : i32
      %dma_wait3A_52 = tpu.memref_slice %arg6[%add3A, %dma_wait3A, %dma_wait3A_51] : memref<32x125x80xi32, #tpu.memory_space<hbm>> -> memref<1x125x80xi32, #tpu.memory_space<hbm>>
      %dma_wait3A_53 = tpu.memref_squeeze %dma_wait3A_52 : memref<1x125x80xi32, #tpu.memory_space<hbm>> -> memref<125x80xi32, #tpu.memory_space<hbm>>
      %dma_wait3A_54 = arith.constant 0 : i32
      %dma_wait3A_55 = arith.constant 0 : i32
      %dma_wait3A_56 = tpu.memref_slice %arg6[%add3A, %dma_wait3A_54, %dma_wait3A_55] : memref<32x125x80xi32, #tpu.memory_space<hbm>> -> memref<1x125x80xi32, #tpu.memory_space<hbm>>
      %dma_wait3A_57 = tpu.memref_squeeze %dma_wait3A_56 : memref<1x125x80xi32, #tpu.memory_space<hbm>> -> memref<125x80xi32, #tpu.memory_space<hbm>>
      tpu.wait_dma2 semaphore(%run_scoped3A : memref<!tpu.dma_semaphore, #tpu.memory_space<semaphore_mem>>) src(%dma_wait3A_57 : memref<125x80xi32, #tpu.memory_space<hbm>>) dst(%arg13 : memref<125x80xi32, #tpu.memory_space<vmem>>)
      tpu.yield
    }) : () -> ()
    %broadcast_in_dim3A = arith.constant 0.000000e+00 : f32
    %broadcast_in_dim3A_1 = vector.broadcast %broadcast_in_dim3A : f32 to vector<16xf32>
    %scan3A = arith.constant 0 : i32
    %scan3A_2 = arith.constant 0 : i32
    %scan3A_3 = arith.constant 80 : i32
    %scan3A_4 = arith.addi %scan3A_2, %scan3A_3 : i32
    %scan3A_5 = arith.constant 4 : i32
    %scan3A_6 = scf.for %scan3A_44 = %scan3A_2 to %scan3A_4 step %scan3A_5 iter_args(%scan3A_45 = %scan3A) -> (i32)  : i32 {
      %swap3A_46 = arith.index_cast %scan3A_44 : i32 to index
      %swap3A_47 = arith.constant 0 : index
      %swap3A_48 = tpu.vector_load %arg17[%swap3A_46, %swap3A_47] {strides = array<i32>} : memref<80x64xf32, #tpu.memory_space<vmem>>, vector<16xf32>,
      tpu.vector_store %arg17[%swap3A_46, %swap3A_47], %broadcast_in_dim3A_1 {strides = array<i32>} : memref<80x64xf32, #tpu.memory_space<vmem>>, vector<16xf32>,
      %swap3A_49 = arith.index_cast %scan3A_44 : i32 to index
      %swap3A_50 = arith.constant 16 : index
      %swap3A_51 = tpu.vector_load %arg17[%swap3A_49, %swap3A_50] {strides = array<i32>} : memref<80x64xf32, #tpu.memory_space<vmem>>, vector<16xf32>,
      tpu.vector_store %arg17[%swap3A_49, %swap3A_50], %broadcast_in_dim3A_1 {strides = array<i32>} : memref<80x64xf32, #tpu.memory_space<vmem>>, vector<16xf32>,
      %swap3A_52 = arith.index_cast %scan3A_44 : i32 to index
      %swap3A_53 = arith.constant 32 : index
      %swap3A_54 = tpu.vector_load %arg17[%swap3A_52, %swap3A_53] {strides = array<i32>} : memref<80x64xf32, #tpu.memory_space<vmem>>, vector<16xf32>,
      tpu.vector_store %arg17[%swap3A_52, %swap3A_53], %broadcast_in_dim3A_1 {strides = array<i32>} : memref<80x64xf32, #tpu.memory_space<vmem>>, vector<16xf32>,
      %swap3A_55 = arith.index_cast %scan3A_44 : i32 to index
      %swap3A_56 = arith.constant 48 : index
      %swap3A_57 = tpu.vector_load %arg17[%swap3A_55, %swap3A_56] {strides = array<i32>} : memref<80x64xf32, #tpu.memory_space<vmem>>, vector<16xf32>,
      tpu.vector_store %arg17[%swap3A_55, %swap3A_56], %broadcast_in_dim3A_1 {strides = array<i32>} : memref<80x64xf32, #tpu.memory_space<vmem>>, vector<16xf32>,
      %scan3A_58 = arith.constant 0 : i32
      %scan3A_59 = arith.constant 1 : i32
      %scan3A_60 = arith.addi %scan3A_44, %scan3A_59 : i32
      %swap3A_61 = arith.index_cast %scan3A_60 : i32 to index
      %swap3A_62 = arith.constant 0 : index
      %swap3A_63 = tpu.vector_load %arg17[%swap3A_61, %swap3A_62] {strides = array<i32>} : memref<80x64xf32, #tpu.memory_space<vmem>>, vector<16xf32>,
      tpu.vector_store %arg17[%swap3A_61, %swap3A_62], %broadcast_in_dim3A_1 {strides = array<i32>} : memref<80x64xf32, #tpu.memory_space<vmem>>, vector<16xf32>,
      %swap3A_64 = arith.index_cast %scan3A_60 : i32 to index
      %swap3A_65 = arith.constant 16 : index
      %swap3A_66 = tpu.vector_load %arg17[%swap3A_64, %swap3A_65] {strides = array<i32>} : memref<80x64xf32, #tpu.memory_space<vmem>>, vector<16xf32>,
      tpu.vector_store %arg17[%swap3A_64, %swap3A_65], %broadcast_in_dim3A_1 {strides = array<i32>} : memref<80x64xf32, #tpu.memory_space<vmem>>, vector<16xf32>,
      %swap3A_67 = arith.index_cast %scan3A_60 : i32 to index
      %swap3A_68 = arith.constant 32 : index
      %swap3A_69 = tpu.vector_load %arg17[%swap3A_67, %swap3A_68] {strides = array<i32>} : memref<80x64xf32, #tpu.memory_space<vmem>>, vector<16xf32>,
      tpu.vector_store %arg17[%swap3A_67, %swap3A_68], %broadcast_in_dim3A_1 {strides = array<i32>} : memref<80x64xf32, #tpu.memory_space<vmem>>, vector<16xf32>,
      %swap3A_70 = arith.index_cast %scan3A_60 : i32 to index
      %swap3A_71 = arith.constant 48 : index
      %swap3A_72 = tpu.vector_load %arg17[%swap3A_70, %swap3A_71] {strides = array<i32>} : memref<80x64xf32, #tpu.memory_space<vmem>>, vector<16xf32>,
      tpu.vector_store %arg17[%swap3A_70, %swap3A_71], %broadcast_in_dim3A_1 {strides = array<i32>} : memref<80x64xf32, #tpu.memory_space<vmem>>, vector<16xf32>,
      %scan3A_73 = arith.constant 0 : i32
      %scan3A_74 = arith.constant 2 : i32
      %scan3A_75 = arith.addi %scan3A_44, %scan3A_74 : i32
      %swap3A_76 = arith.index_cast %scan3A_75 : i32 to index
      %swap3A_77 = arith.constant 0 : index
      %swap3A_78 = tpu.vector_load %arg17[%swap3A_76, %swap3A_77] {strides = array<i32>} : memref<80x64xf32, #tpu.memory_space<vmem>>, vector<16xf32>,
      tpu.vector_store %arg17[%swap3A_76, %swap3A_77], %broadcast_in_dim3A_1 {strides = array<i32>} : memref<80x64xf32, #tpu.memory_space<vmem>>, vector<16xf32>,
      %swap3A_79 = arith.index_cast %scan3A_75 : i32 to index
      %swap3A_80 = arith.constant 16 : index
      %swap3A_81 = tpu.vector_load %arg17[%swap3A_79, %swap3A_80] {strides = array<i32>} : memref<80x64xf32, #tpu.memory_space<vmem>>, vector<16xf32>,
      tpu.vector_store %arg17[%swap3A_79, %swap3A_80], %broadcast_in_dim3A_1 {strides = array<i32>} : memref<80x64xf32, #tpu.memory_space<vmem>>, vector<16xf32>,
      %swap3A_82 = arith.index_cast %scan3A_75 : i32 to index
      %swap3A_83 = arith.constant 32 : index
      %swap3A_84 = tpu.vector_load %arg17[%swap3A_82, %swap3A_83] {strides = array<i32>} : memref<80x64xf32, #tpu.memory_space<vmem>>, vector<16xf32>,
      tpu.vector_store %arg17[%swap3A_82, %swap3A_83], %broadcast_in_dim3A_1 {strides = array<i32>} : memref<80x64xf32, #tpu.memory_space<vmem>>, vector<16xf32>,
      %swap3A_85 = arith.index_cast %scan3A_75 : i32 to index
      %swap3A_86 = arith.constant 48 : index
      %swap3A_87 = tpu.vector_load %arg17[%swap3A_85, %swap3A_86] {strides = array<i32>} : memref<80x64xf32, #tpu.memory_space<vmem>>, vector<16xf32>,
      tpu.vector_store %arg17[%swap3A_85, %swap3A_86], %broadcast_in_dim3A_1 {strides = array<i32>} : memref<80x64xf32, #tpu.memory_space<vmem>>, vector<16xf32>,
      %scan3A_88 = arith.constant 0 : i32
      %scan3A_89 = arith.constant 3 : i32
      %scan3A_90 = arith.addi %scan3A_44, %scan3A_89 : i32
      %swap3A_91 = arith.index_cast %scan3A_90 : i32 to index
      %swap3A_92 = arith.constant 0 : index
      %swap3A_93 = tpu.vector_load %arg17[%swap3A_91, %swap3A_92] {strides = array<i32>} : memref<80x64xf32, #tpu.memory_space<vmem>>, vector<16xf32>,
      tpu.vector_store %arg17[%swap3A_91, %swap3A_92], %broadcast_in_dim3A_1 {strides = array<i32>} : memref<80x64xf32, #tpu.memory_space<vmem>>, vector<16xf32>,
      %swap3A_94 = arith.index_cast %scan3A_90 : i32 to index
      %swap3A_95 = arith.constant 16 : index
      %swap3A_96 = tpu.vector_load %arg17[%swap3A_94, %swap3A_95] {strides = array<i32>} : memref<80x64xf32, #tpu.memory_space<vmem>>, vector<16xf32>,
      tpu.vector_store %arg17[%swap3A_94, %swap3A_95], %broadcast_in_dim3A_1 {strides = array<i32>} : memref<80x64xf32, #tpu.memory_space<vmem>>, vector<16xf32>,
      %swap3A_97 = arith.index_cast %scan3A_90 : i32 to index
      %swap3A_98 = arith.constant 32 : index
      %swap3A_99 = tpu.vector_load %arg17[%swap3A_97, %swap3A_98] {strides = array<i32>} : memref<80x64xf32, #tpu.memory_space<vmem>>, vector<16xf32>,
      tpu.vector_store %arg17[%swap3A_97, %swap3A_98], %broadcast_in_dim3A_1 {strides = array<i32>} : memref<80x64xf32, #tpu.memory_space<vmem>>, vector<16xf32>,
      %swap3A_100 = arith.index_cast %scan3A_90 : i32 to index
      %swap3A_101 = arith.constant 48 : index
      %swap3A_102 = tpu.vector_load %arg17[%swap3A_100, %swap3A_101] {strides = array<i32>} : memref<80x64xf32, #tpu.memory_space<vmem>>, vector<16xf32>,
      tpu.vector_store %arg17[%swap3A_100, %swap3A_101], %broadcast_in_dim3A_1 {strides = array<i32>} : memref<80x64xf32, #tpu.memory_space<vmem>>, vector<16xf32>,
      %scan3A_103 = arith.constant 0 : i32
      scf.yield %scan3A_103 : i32
    }
    %scan3A_7 = arith.constant 80 : i32
    %scan3A_8 = arith.constant 0 : i32
    %scan3A_9 = arith.constant 0 : i32
    %scan3A_10 = arith.constant 624 : i32
    %scan3A_11 = arith.addi %scan3A_9, %scan3A_10 : i32
    %scan3A_12 = arith.constant 4 : i32
    %scan3A_13 = scf.for %scan3A_44 = %scan3A_9 to %scan3A_11 step %scan3A_12 iter_args(%scan3A_45 = %scan3A_8) -> (i32)  : i32 {
      %mul3A_46 = arith.constant 16 : i32
      %mul3A_47 = arith.muli %scan3A_44, %mul3A_46 : i32
      %swap3A_48 = arith.index_cast %mul3A_47 : i32 to index
      %swap3A_49 = tpu.vector_load %arg14[%swap3A_48] {strides = array<i32>} : memref<10000xf32, #tpu.memory_space<vmem>>, vector<16xf32>,
      tpu.vector_store %arg14[%swap3A_48], %broadcast_in_dim3A_1 {strides = array<i32>} : memref<10000xf32, #tpu.memory_space<vmem>>, vector<16xf32>,
      %scan3A_50 = arith.constant 0 : i32
      %scan3A_51 = arith.constant 1 : i32
      %scan3A_52 = arith.addi %scan3A_44, %scan3A_51 : i32
      %mul3A_53 = arith.constant 16 : i32
      %mul3A_54 = arith.muli %scan3A_52, %mul3A_53 : i32
      %swap3A_55 = arith.index_cast %mul3A_54 : i32 to index
      %swap3A_56 = tpu.vector_load %arg14[%swap3A_55] {strides = array<i32>} : memref<10000xf32, #tpu.memory_space<vmem>>, vector<16xf32>,
      tpu.vector_store %arg14[%swap3A_55], %broadcast_in_dim3A_1 {strides = array<i32>} : memref<10000xf32, #tpu.memory_space<vmem>>, vector<16xf32>,
      %scan3A_57 = arith.constant 0 : i32
      %scan3A_58 = arith.constant 2 : i32
      %scan3A_59 = arith.addi %scan3A_44, %scan3A_58 : i32
      %mul3A_60 = arith.constant 16 : i32
      %mul3A_61 = arith.muli %scan3A_59, %mul3A_60 : i32
      %swap3A_62 = arith.index_cast %mul3A_61 : i32 to index
      %swap3A_63 = tpu.vector_load %arg14[%swap3A_62] {strides = array<i32>} : memref<10000xf32, #tpu.memory_space<vmem>>, vector<16xf32>,
      tpu.vector_store %arg14[%swap3A_62], %broadcast_in_dim3A_1 {strides = array<i32>} : memref<10000xf32, #tpu.memory_space<vmem>>, vector<16xf32>,
      %scan3A_64 = arith.constant 0 : i32
      %scan3A_65 = arith.constant 3 : i32
      %scan3A_66 = arith.addi %scan3A_44, %scan3A_65 : i32
      %mul3A_67 = arith.constant 16 : i32
      %mul3A_68 = arith.muli %scan3A_66, %mul3A_67 : i32
      %swap3A_69 = arith.index_cast %mul3A_68 : i32 to index
      %swap3A_70 = tpu.vector_load %arg14[%swap3A_69] {strides = array<i32>} : memref<10000xf32, #tpu.memory_space<vmem>>, vector<16xf32>,
      tpu.vector_store %arg14[%swap3A_69], %broadcast_in_dim3A_1 {strides = array<i32>} : memref<10000xf32, #tpu.memory_space<vmem>>, vector<16xf32>,
      %scan3A_71 = arith.constant 0 : i32
      scf.yield %scan3A_71 : i32
    }
    %scan3A_14 = arith.constant 624 : i32
    %scan3A_15 = arith.addi %scan3A_9, %scan3A_14 : i32
    %mul3A_16 = arith.constant 16 : i32
    %mul3A_17 = arith.muli %scan3A_15, %mul3A_16 : i32
    %swap3A = arith.index_cast %mul3A_17 : i32 to index
    %swap3A_18 = tpu.vector_load %arg14[%swap3A] {strides = array<i32>} : memref<10000xf32, #tpu.memory_space<vmem>>, vector<16xf32>,
    tpu.vector_store %arg14[%swap3A], %broadcast_in_dim3A_1 {strides = array<i32>} : memref<10000xf32, #tpu.memory_space<vmem>>, vector<16xf32>,
    %scan3A_19 = arith.constant 0 : i32
    %scan3A_20 = arith.constant 625 : i32
    %scan3A_21 = arith.constant 0 : i32
    %scan3A_22 = arith.constant 0 : i32
    %scan3A_23 = arith.constant 8 : i32
    %scan3A_24 = arith.addi %scan3A_22, %scan3A_23 : i32
    %scan3A_25 = arith.constant 1 : i32
    %scan3A_26 = scf.for %scan3A_44 = %scan3A_22 to %scan3A_24 step %scan3A_25 iter_args(%scan3A_45 = %scan3A_21) -> (i32)  : i32 {
      %mul3A_46 = arith.constant 16 : i32
      %mul3A_47 = arith.muli %scan3A_44, %mul3A_46 : i32
      %add3A_48 = arith.addi %mul3A_47, %arg1 : i32
      %lt3A = arith.constant 125 : i32
      %lt3A_49 = arith.cmpi slt, %add3A_48, %lt3A : i32
      %convert_element_type3A = arith.extui %lt3A_49 : i1 to i32
      %cond3A = arith.constant 0 : i32
      %cond3A_50 = arith.cmpi ne, %convert_element_type3A, %cond3A : i32
      scf.if %cond3A_50 {
        %mul3A_52 = arith.constant 80 : i32
        %mul3A_53 = arith.muli %add3A_48, %mul3A_52 : i32
        "tpu.region"() ({
          %run_scoped3A = tpu.sem_alloc : memref<!tpu.dma_semaphore, #tpu.memory_space<semaphore_mem>>
          %dma_start3A = arith.constant 0 : i32
          %dma_start3A_54 = tpu.memref_slice %arg20[%mul3A_53, %dma_start3A] : memref<10000x64xf32, #tpu.memory_space<vmem_shared>> -> memref<80x64xf32, #tpu.memory_space<vmem_shared>>
          %dma_start3A_55 = arith.constant 0 : i32
          %dma_start3A_56 = tpu.memref_slice %arg20[%mul3A_53, %dma_start3A_55] : memref<10000x64xf32, #tpu.memory_space<vmem_shared>> -> memref<80x64xf32, #tpu.memory_space<vmem_shared>>
          tpu.enqueue_dma source(%arg17 : memref<80x64xf32, #tpu.memory_space<vmem>>) target(%dma_start3A_56 : memref<80x64xf32, #tpu.memory_space<vmem_shared>>) target_semaphore(%run_scoped3A : memref<!tpu.dma_semaphore, #tpu.memory_space<semaphore_mem>>)
          %dma_wait3A = arith.constant 0 : i32
          %dma_wait3A_57 = tpu.memref_slice %arg20[%mul3A_53, %dma_wait3A] : memref<10000x64xf32, #tpu.memory_space<vmem_shared>> -> memref<80x64xf32, #tpu.memory_space<vmem_shared>>
          %dma_wait3A_58 = arith.constant 0 : i32
          %dma_wait3A_59 = tpu.memref_slice %arg20[%mul3A_53, %dma_wait3A_58] : memref<10000x64xf32, #tpu.memory_space<vmem_shared>> -> memref<80x64xf32, #tpu.memory_space<vmem_shared>>
          tpu.wait_dma2 semaphore(%run_scoped3A : memref<!tpu.dma_semaphore, #tpu.memory_space<semaphore_mem>>) src(%arg17 : memref<80x64xf32, #tpu.memory_space<vmem>>) dst(%dma_wait3A_59 : memref<80x64xf32, #tpu.memory_space<vmem_shared>>)
          tpu.yield
        }) : () -> ()
      } else {
      }
      %scan3A_51 = arith.constant 0 : i32
      scf.yield %scan3A_51 : i32
    }
    %scan3A_27 = arith.constant 8 : i32
    %barrier3A = arith.constant 0 : index
    tpu.barrier barrier_id(%barrier3A)
    %get3A = arith.constant 0 : index
    %get3A_28 = tpu.vector_load %arg18[%get3A] {strides = array<i32>} : memref<16xf32, #tpu.memory_space<vmem>>, vector<16xf32>,
    %scan3A_29 = arith.constant 0 : i32
    %scan3A_30 = arith.constant 0 : i32
    %scan3A_31 = arith.constant 125 : i32
    %scan3A_32 = arith.addi %scan3A_30, %scan3A_31 : i32
    %scan3A_33 = arith.constant 1 : i32
    %scan3A_34 = scf.for %scan3A_44 = %scan3A_30 to %scan3A_32 step %scan3A_33 iter_args(%scan3A_45 = %scan3A_29) -> (i32)  : i32 {
      %mul3A_46 = arith.constant 80 : i32
      %mul3A_47 = arith.muli %scan3A_44, %mul3A_46 : i32
      %dma_start3A = tpu.memref_slice %arg12[%mul3A_47] : memref<10000xi32, #tpu.memory_space<vmem>> -> memref<80xi32, #tpu.memory_space<vmem>>
      %dma_start3A_48 = arith.constant 0 : i32
      %dma_start3A_49 = arith.constant 0 : i32
      %dma_start3A_50 = tpu.memref_slice %arg2[%dma_start3A_48, %dma_start3A_49] : memref<10000x64xf32, #tpu.memory_space<hbm>> -> memref<10000x64xf32, #tpu.memory_space<hbm>>
      tpu.enqueue_indirect_dma source(%dma_start3A_50 : memref<10000x64xf32, #tpu.memory_space<hbm>>) target(%arg16 : memref<80x64xf32, #tpu.memory_space<vmem>>) offsets(%dma_start3A : memref<80xi32, #tpu.memory_space<vmem>>) semaphore(%arg19 : memref<!tpu.dma_semaphore, #tpu.memory_space<semaphore_mem>>)
      %add3A_51 = arith.constant 0 : i32
      %add3A_52 = arith.addi %mul3A_47, %add3A_51 : i32
      %get3A_53 = arith.index_cast %add3A_52 : i32 to index
      %get3A_54 = tpu.vector_load %arg12[%get3A_53] {strides = array<i32>} : memref<10000xi32, #tpu.memory_space<vmem>>, vector<16xi32>,
      %get3A_55 = arith.index_cast %scan3A_44 : i32 to index
      %get3A_56 = arith.constant 0 : index
      %get3A_57 = tpu.vector_load %arg13[%get3A_55, %get3A_56] {strides = array<i32>} : memref<125x80xi32, #tpu.memory_space<vmem>>, vector<16xi32>,
      %gather3A = tpu.vector_load_idx %arg10[%get3A_54] : memref<10000xf32, #tpu.memory_space<vmem>>[vector<16xi32>], vector<16xf32>,
      %gather3A_58 = tpu.vector_load_idx %arg11[%get3A_57] : memref<10000xf32, #tpu.memory_space<vmem>>[vector<16xi32>], vector<16xf32>,
      %add3A_59 = arith.addf %gather3A, %gather3A_58 : vector<16xf32>
      %ge3A = arith.constant 0.000000e+00 : f32
      %ge3A_60 = vector.broadcast %ge3A : f32 to vector<16xf32>
      %ge3A_61 = arith.cmpf oge, %add3A_59, %ge3A_60 : vector<16xf32>
      %mul3A_62 = arith.constant 2.000000e-01 : f32
      %mul3A_63 = vector.broadcast %mul3A_62 : f32 to vector<16xf32>
      %mul3A_64 = arith.mulf %mul3A_63, %add3A_59 : vector<16xf32>
      %select_n3A = arith.select %ge3A_61, %add3A_59, %mul3A_64 : vector<16xi1>, vector<16xf32>
      %sub3A = arith.subf %select_n3A, %get3A_28 : vector<16xf32>
      %exp3A = math.exp %sub3A : vector<16xf32>
      %swap3A_65 = arith.constant 0 : index
      %swap3A_66 = tpu.vector_load %arg15[%swap3A_65] {strides = array<i32>} : memref<80xf32, #tpu.memory_space<vmem>>, vector<16xf32>,
      tpu.vector_store %arg15[%swap3A_65], %exp3A {strides = array<i32>} : memref<80xf32, #tpu.memory_space<vmem>>, vector<16xf32>,
      tpu.vector_store_idx %arg14[%get3A_57], %exp3A {add = true} : memref<10000xf32, #tpu.memory_space<vmem>>[vector<16xi32>], vector<16xf32>,
      %add3A_67 = arith.constant 16 : i32
      %add3A_68 = arith.addi %mul3A_47, %add3A_67 : i32
      %get3A_69 = arith.index_cast %add3A_68 : i32 to index
      %get3A_70 = tpu.vector_load %arg12[%get3A_69] {strides = array<i32>} : memref<10000xi32, #tpu.memory_space<vmem>>, vector<16xi32>,
      %get3A_71 = arith.index_cast %scan3A_44 : i32 to index
      %get3A_72 = arith.constant 16 : index
      %get3A_73 = tpu.vector_load %arg13[%get3A_71, %get3A_72] {strides = array<i32>} : memref<125x80xi32, #tpu.memory_space<vmem>>, vector<16xi32>,
      %gather3A_74 = tpu.vector_load_idx %arg10[%get3A_70] : memref<10000xf32, #tpu.memory_space<vmem>>[vector<16xi32>], vector<16xf32>,
      %gather3A_75 = tpu.vector_load_idx %arg11[%get3A_73] : memref<10000xf32, #tpu.memory_space<vmem>>[vector<16xi32>], vector<16xf32>,
      %add3A_76 = arith.addf %gather3A_74, %gather3A_75 : vector<16xf32>
      %ge3A_77 = arith.constant 0.000000e+00 : f32
      %ge3A_78 = vector.broadcast %ge3A_77 : f32 to vector<16xf32>
      %ge3A_79 = arith.cmpf oge, %add3A_76, %ge3A_78 : vector<16xf32>
      %mul3A_80 = arith.constant 2.000000e-01 : f32
      %mul3A_81 = vector.broadcast %mul3A_80 : f32 to vector<16xf32>
      %mul3A_82 = arith.mulf %mul3A_81, %add3A_76 : vector<16xf32>
      %select_n3A_83 = arith.select %ge3A_79, %add3A_76, %mul3A_82 : vector<16xi1>, vector<16xf32>
      %sub3A_84 = arith.subf %select_n3A_83, %get3A_28 : vector<16xf32>
      %exp3A_85 = math.exp %sub3A_84 : vector<16xf32>
      %swap3A_86 = arith.constant 16 : index
      %swap3A_87 = tpu.vector_load %arg15[%swap3A_86] {strides = array<i32>} : memref<80xf32, #tpu.memory_space<vmem>>, vector<16xf32>,
      tpu.vector_store %arg15[%swap3A_86], %exp3A_85 {strides = array<i32>} : memref<80xf32, #tpu.memory_space<vmem>>, vector<16xf32>,
      tpu.vector_store_idx %arg14[%get3A_73], %exp3A_85 {add = true} : memref<10000xf32, #tpu.memory_space<vmem>>[vector<16xi32>], vector<16xf32>,
      %add3A_88 = arith.constant 32 : i32
      %add3A_89 = arith.addi %mul3A_47, %add3A_88 : i32
      %get3A_90 = arith.index_cast %add3A_89 : i32 to index
      %get3A_91 = tpu.vector_load %arg12[%get3A_90] {strides = array<i32>} : memref<10000xi32, #tpu.memory_space<vmem>>, vector<16xi32>,
      %get3A_92 = arith.index_cast %scan3A_44 : i32 to index
      %get3A_93 = arith.constant 32 : index
      %get3A_94 = tpu.vector_load %arg13[%get3A_92, %get3A_93] {strides = array<i32>} : memref<125x80xi32, #tpu.memory_space<vmem>>, vector<16xi32>,
      %gather3A_95 = tpu.vector_load_idx %arg10[%get3A_91] : memref<10000xf32, #tpu.memory_space<vmem>>[vector<16xi32>], vector<16xf32>,
      %gather3A_96 = tpu.vector_load_idx %arg11[%get3A_94] : memref<10000xf32, #tpu.memory_space<vmem>>[vector<16xi32>], vector<16xf32>,
      %add3A_97 = arith.addf %gather3A_95, %gather3A_96 : vector<16xf32>
      %ge3A_98 = arith.constant 0.000000e+00 : f32
      %ge3A_99 = vector.broadcast %ge3A_98 : f32 to vector<16xf32>
      %ge3A_100 = arith.cmpf oge, %add3A_97, %ge3A_99 : vector<16xf32>
      %mul3A_101 = arith.constant 2.000000e-01 : f32
      %mul3A_102 = vector.broadcast %mul3A_101 : f32 to vector<16xf32>
      %mul3A_103 = arith.mulf %mul3A_102, %add3A_97 : vector<16xf32>
      %select_n3A_104 = arith.select %ge3A_100, %add3A_97, %mul3A_103 : vector<16xi1>, vector<16xf32>
      %sub3A_105 = arith.subf %select_n3A_104, %get3A_28 : vector<16xf32>
      %exp3A_106 = math.exp %sub3A_105 : vector<16xf32>
      %swap3A_107 = arith.constant 32 : index
      %swap3A_108 = tpu.vector_load %arg15[%swap3A_107] {strides = array<i32>} : memref<80xf32, #tpu.memory_space<vmem>>, vector<16xf32>,
      tpu.vector_store %arg15[%swap3A_107], %exp3A_106 {strides = array<i32>} : memref<80xf32, #tpu.memory_space<vmem>>, vector<16xf32>,
      tpu.vector_store_idx %arg14[%get3A_94], %exp3A_106 {add = true} : memref<10000xf32, #tpu.memory_space<vmem>>[vector<16xi32>], vector<16xf32>,
      %add3A_109 = arith.constant 48 : i32
      %add3A_110 = arith.addi %mul3A_47, %add3A_109 : i32
      %get3A_111 = arith.index_cast %add3A_110 : i32 to index
      %get3A_112 = tpu.vector_load %arg12[%get3A_111] {strides = array<i32>} : memref<10000xi32, #tpu.memory_space<vmem>>, vector<16xi32>,
      %get3A_113 = arith.index_cast %scan3A_44 : i32 to index
      %get3A_114 = arith.constant 48 : index
      %get3A_115 = tpu.vector_load %arg13[%get3A_113, %get3A_114] {strides = array<i32>} : memref<125x80xi32, #tpu.memory_space<vmem>>, vector<16xi32>,
      %gather3A_116 = tpu.vector_load_idx %arg10[%get3A_112] : memref<10000xf32, #tpu.memory_space<vmem>>[vector<16xi32>], vector<16xf32>,
      %gather3A_117 = tpu.vector_load_idx %arg11[%get3A_115] : memref<10000xf32, #tpu.memory_space<vmem>>[vector<16xi32>], vector<16xf32>,
      %add3A_118 = arith.addf %gather3A_116, %gather3A_117 : vector<16xf32>
      %ge3A_119 = arith.constant 0.000000e+00 : f32
      %ge3A_120 = vector.broadcast %ge3A_119 : f32 to vector<16xf32>
      %ge3A_121 = arith.cmpf oge, %add3A_118, %ge3A_120 : vector<16xf32>
      %mul3A_122 = arith.constant 2.000000e-01 : f32
      %mul3A_123 = vector.broadcast %mul3A_122 : f32 to vector<16xf32>
      %mul3A_124 = arith.mulf %mul3A_123, %add3A_118 : vector<16xf32>
      %select_n3A_125 = arith.select %ge3A_121, %add3A_118, %mul3A_124 : vector<16xi1>, vector<16xf32>
      %sub3A_126 = arith.subf %select_n3A_125, %get3A_28 : vector<16xf32>
      %exp3A_127 = math.exp %sub3A_126 : vector<16xf32>
      %swap3A_128 = arith.constant 48 : index
      %swap3A_129 = tpu.vector_load %arg15[%swap3A_128] {strides = array<i32>} : memref<80xf32, #tpu.memory_space<vmem>>, vector<16xf32>,
      tpu.vector_store %arg15[%swap3A_128], %exp3A_127 {strides = array<i32>} : memref<80xf32, #tpu.memory_space<vmem>>, vector<16xf32>,
      tpu.vector_store_idx %arg14[%get3A_115], %exp3A_127 {add = true} : memref<10000xf32, #tpu.memory_space<vmem>>[vector<16xi32>], vector<16xf32>,
      %add3A_130 = arith.constant 64 : i32
      %add3A_131 = arith.addi %mul3A_47, %add3A_130 : i32
      %get3A_132 = arith.index_cast %add3A_131 : i32 to index
      %get3A_133 = tpu.vector_load %arg12[%get3A_132] {strides = array<i32>} : memref<10000xi32, #tpu.memory_space<vmem>>, vector<16xi32>,
      %get3A_134 = arith.index_cast %scan3A_44 : i32 to index
      %get3A_135 = arith.constant 64 : index
      %get3A_136 = tpu.vector_load %arg13[%get3A_134, %get3A_135] {strides = array<i32>} : memref<125x80xi32, #tpu.memory_space<vmem>>, vector<16xi32>,
      %gather3A_137 = tpu.vector_load_idx %arg10[%get3A_133] : memref<10000xf32, #tpu.memory_space<vmem>>[vector<16xi32>], vector<16xf32>,
      %gather3A_138 = tpu.vector_load_idx %arg11[%get3A_136] : memref<10000xf32, #tpu.memory_space<vmem>>[vector<16xi32>], vector<16xf32>,
      %add3A_139 = arith.addf %gather3A_137, %gather3A_138 : vector<16xf32>
      %ge3A_140 = arith.constant 0.000000e+00 : f32
      %ge3A_141 = vector.broadcast %ge3A_140 : f32 to vector<16xf32>
      %ge3A_142 = arith.cmpf oge, %add3A_139, %ge3A_141 : vector<16xf32>
      %mul3A_143 = arith.constant 2.000000e-01 : f32
      %mul3A_144 = vector.broadcast %mul3A_143 : f32 to vector<16xf32>
      %mul3A_145 = arith.mulf %mul3A_144, %add3A_139 : vector<16xf32>
      %select_n3A_146 = arith.select %ge3A_142, %add3A_139, %mul3A_145 : vector<16xi1>, vector<16xf32>
      %sub3A_147 = arith.subf %select_n3A_146, %get3A_28 : vector<16xf32>
      %exp3A_148 = math.exp %sub3A_147 : vector<16xf32>
      %swap3A_149 = arith.constant 64 : index
      %swap3A_150 = tpu.vector_load %arg15[%swap3A_149] {strides = array<i32>} : memref<80xf32, #tpu.memory_space<vmem>>, vector<16xf32>,
      tpu.vector_store %arg15[%swap3A_149], %exp3A_148 {strides = array<i32>} : memref<80xf32, #tpu.memory_space<vmem>>, vector<16xf32>,
      tpu.vector_store_idx %arg14[%get3A_136], %exp3A_148 {add = true} : memref<10000xf32, #tpu.memory_space<vmem>>[vector<16xi32>], vector<16xf32>,
      %dma_wait3A = tpu.memref_slice %arg12[%mul3A_47] : memref<10000xi32, #tpu.memory_space<vmem>> -> memref<80xi32, #tpu.memory_space<vmem>>
      %dma_wait3A_151 = arith.constant 0 : i32
      %dma_wait3A_152 = arith.constant 0 : i32
      %dma_wait3A_153 = tpu.memref_slice %arg2[%dma_wait3A_151, %dma_wait3A_152] : memref<10000x64xf32, #tpu.memory_space<hbm>> -> memref<10000x64xf32, #tpu.memory_space<hbm>>
      tpu.wait_indirect_dma semaphore(%arg19 : memref<!tpu.dma_semaphore, #tpu.memory_space<semaphore_mem>>) src(%dma_wait3A_153 : memref<10000x64xf32, #tpu.memory_space<hbm>>) dst(%arg16 : memref<80x64xf32, #tpu.memory_space<vmem>>)
      %scan3A_154 = arith.constant 0 : i32
      %scan3A_155 = arith.constant 0 : i32
      %scan3A_156 = arith.constant 80 : i32
      %scan3A_157 = arith.addi %scan3A_155, %scan3A_156 : i32
      %scan3A_158 = arith.constant 1 : i32
      %scan3A_159 = scf.for %scan3A_162 = %scan3A_155 to %scan3A_157 step %scan3A_158 iter_args(%scan3A_163 = %scan3A_154) -> (i32)  : i32 {
        %broadcast_in_dim3A_164 = vector.broadcast %scan3A_162 : i32 to vector<16xi32>
        %gather3A_165 = tpu.vector_load_idx %arg15[%broadcast_in_dim3A_164] : memref<80xf32, #tpu.memory_space<vmem>>[vector<16xi32>], vector<16xf32>,
        %get3A_166 = arith.index_cast %scan3A_162 : i32 to index
        %get3A_167 = arith.constant 0 : index
        %get3A_168 = tpu.vector_load %arg16[%get3A_166, %get3A_167] {strides = array<i32>} : memref<80x64xf32, #tpu.memory_space<vmem>>, vector<16xf32>,
        %mul3A_169 = arith.mulf %get3A_168, %gather3A_165 : vector<16xf32>
        %swap3A_170 = arith.index_cast %scan3A_162 : i32 to index
        %swap3A_171 = arith.constant 0 : index
        %swap3A_172 = tpu.vector_load %arg16[%swap3A_170, %swap3A_171] {strides = array<i32>} : memref<80x64xf32, #tpu.memory_space<vmem>>, vector<16xf32>,
        tpu.vector_store %arg16[%swap3A_170, %swap3A_171], %mul3A_169 {strides = array<i32>} : memref<80x64xf32, #tpu.memory_space<vmem>>, vector<16xf32>,
        %get3A_173 = arith.index_cast %scan3A_162 : i32 to index
        %get3A_174 = arith.constant 16 : index
        %get3A_175 = tpu.vector_load %arg16[%get3A_173, %get3A_174] {strides = array<i32>} : memref<80x64xf32, #tpu.memory_space<vmem>>, vector<16xf32>,
        %mul3A_176 = arith.mulf %get3A_175, %gather3A_165 : vector<16xf32>
        %swap3A_177 = arith.index_cast %scan3A_162 : i32 to index
        %swap3A_178 = arith.constant 16 : index
        %swap3A_179 = tpu.vector_load %arg16[%swap3A_177, %swap3A_178] {strides = array<i32>} : memref<80x64xf32, #tpu.memory_space<vmem>>, vector<16xf32>,
        tpu.vector_store %arg16[%swap3A_177, %swap3A_178], %mul3A_176 {strides = array<i32>} : memref<80x64xf32, #tpu.memory_space<vmem>>, vector<16xf32>,
        %get3A_180 = arith.index_cast %scan3A_162 : i32 to index
        %get3A_181 = arith.constant 32 : index
        %get3A_182 = tpu.vector_load %arg16[%get3A_180, %get3A_181] {strides = array<i32>} : memref<80x64xf32, #tpu.memory_space<vmem>>, vector<16xf32>,
        %mul3A_183 = arith.mulf %get3A_182, %gather3A_165 : vector<16xf32>
        %swap3A_184 = arith.index_cast %scan3A_162 : i32 to index
        %swap3A_185 = arith.constant 32 : index
        %swap3A_186 = tpu.vector_load %arg16[%swap3A_184, %swap3A_185] {strides = array<i32>} : memref<80x64xf32, #tpu.memory_space<vmem>>, vector<16xf32>,
        tpu.vector_store %arg16[%swap3A_184, %swap3A_185], %mul3A_183 {strides = array<i32>} : memref<80x64xf32, #tpu.memory_space<vmem>>, vector<16xf32>,
        %get3A_187 = arith.index_cast %scan3A_162 : i32 to index
        %get3A_188 = arith.constant 48 : index
        %get3A_189 = tpu.vector_load %arg16[%get3A_187, %get3A_188] {strides = array<i32>} : memref<80x64xf32, #tpu.memory_space<vmem>>, vector<16xf32>,
        %mul3A_190 = arith.mulf %get3A_189, %gather3A_165 : vector<16xf32>
        %swap3A_191 = arith.index_cast %scan3A_162 : i32 to index
        %swap3A_192 = arith.constant 48 : index
        %swap3A_193 = tpu.vector_load %arg16[%swap3A_191, %swap3A_192] {strides = array<i32>} : memref<80x64xf32, #tpu.memory_space<vmem>>, vector<16xf32>,
        tpu.vector_store %arg16[%swap3A_191, %swap3A_192], %mul3A_190 {strides = array<i32>} : memref<80x64xf32, #tpu.memory_space<vmem>>, vector<16xf32>,
        %scan3A_194 = arith.constant 0 : i32
        scf.yield %scan3A_194 : i32
      }
      %scan3A_160 = arith.constant 80 : i32
      "tpu.region"() ({
        %run_scoped3A = tpu.sem_alloc : memref<!tpu.dma_semaphore, #tpu.memory_space<semaphore_mem>>
        %dma_start3A_162 = arith.constant 0 : i32
        %dma_start3A_163 = tpu.memref_slice %arg13[%scan3A_44, %dma_start3A_162] : memref<125x80xi32, #tpu.memory_space<vmem>> -> memref<1x80xi32, #tpu.memory_space<vmem>>
        %dma_start3A_164 = tpu.memref_squeeze %dma_start3A_163 : memref<1x80xi32, #tpu.memory_space<vmem>> -> memref<80xi32, #tpu.memory_space<vmem>>
        %dma_start3A_165 = arith.constant 0 : i32
        %dma_start3A_166 = arith.constant 0 : i32
        %dma_start3A_167 = tpu.memref_slice %arg20[%dma_start3A_165, %dma_start3A_166] : memref<10000x64xf32, #tpu.memory_space<vmem_shared>> -> memref<10000x64xf32, #tpu.memory_space<vmem_shared>>
        tpu.enqueue_indirect_dma source(%arg16 : memref<80x64xf32, #tpu.memory_space<vmem>>) target(%dma_start3A_167 : memref<10000x64xf32, #tpu.memory_space<vmem_shared>>) offsets(%dma_start3A_164 : memref<80xi32, #tpu.memory_space<vmem>>) semaphore(%run_scoped3A : memref<!tpu.dma_semaphore, #tpu.memory_space<semaphore_mem>>) {add = true}
        %dma_wait3A_168 = arith.constant 0 : i32
        %dma_wait3A_169 = tpu.memref_slice %arg13[%scan3A_44, %dma_wait3A_168] : memref<125x80xi32, #tpu.memory_space<vmem>> -> memref<1x80xi32, #tpu.memory_space<vmem>>
        %dma_wait3A_170 = tpu.memref_squeeze %dma_wait3A_169 : memref<1x80xi32, #tpu.memory_space<vmem>> -> memref<80xi32, #tpu.memory_space<vmem>>
        %dma_wait3A_171 = arith.constant 0 : i32
        %dma_wait3A_172 = arith.constant 0 : i32
        %dma_wait3A_173 = tpu.memref_slice %arg20[%dma_wait3A_171, %dma_wait3A_172] : memref<10000x64xf32, #tpu.memory_space<vmem_shared>> -> memref<10000x64xf32, #tpu.memory_space<vmem_shared>>
        tpu.wait_indirect_dma semaphore(%run_scoped3A : memref<!tpu.dma_semaphore, #tpu.memory_space<semaphore_mem>>) src(%arg16 : memref<80x64xf32, #tpu.memory_space<vmem>>) dst(%dma_wait3A_173 : memref<10000x64xf32, #tpu.memory_space<vmem_shared>>)
        tpu.yield
      }) : () -> ()
      %scan3A_161 = arith.constant 0 : i32
      scf.yield %scan3A_161 : i32
    }
    %scan3A_35 = arith.constant 125 : i32
    %barrier3A_36 = arith.constant 0 : index
    tpu.barrier barrier_id(%barrier3A_36)
    "tpu.region"() ({
      %run_scoped3A = tpu.sem_alloc : memref<!tpu.dma_semaphore, #tpu.memory_space<semaphore_mem>>
      %dma_start3A = arith.constant 0 : i32
      %dma_start3A_44 = tpu.memref_slice %arg9[%add3A, %dma_start3A] : memref<32x10000xf32, #tpu.memory_space<hbm>> -> memref<1x10000xf32, #tpu.memory_space<hbm>>
      %dma_start3A_45 = tpu.memref_squeeze %dma_start3A_44 : memref<1x10000xf32, #tpu.memory_space<hbm>> -> memref<10000xf32, #tpu.memory_space<hbm>>
      %dma_start3A_46 = arith.constant 0 : i32
      %dma_start3A_47 = tpu.memref_slice %arg9[%add3A, %dma_start3A_46] : memref<32x10000xf32, #tpu.memory_space<hbm>> -> memref<1x10000xf32, #tpu.memory_space<hbm>>
      %dma_start3A_48 = tpu.memref_squeeze %dma_start3A_47 : memref<1x10000xf32, #tpu.memory_space<hbm>> -> memref<10000xf32, #tpu.memory_space<hbm>>
      tpu.enqueue_dma source(%arg14 : memref<10000xf32, #tpu.memory_space<vmem>>) target(%dma_start3A_48 : memref<10000xf32, #tpu.memory_space<hbm>>) target_semaphore(%run_scoped3A : memref<!tpu.dma_semaphore, #tpu.memory_space<semaphore_mem>>)
      %dma_wait3A = arith.constant 0 : i32
      %dma_wait3A_49 = tpu.memref_slice %arg9[%add3A, %dma_wait3A] : memref<32x10000xf32, #tpu.memory_space<hbm>> -> memref<1x10000xf32, #tpu.memory_space<hbm>>
      %dma_wait3A_50 = tpu.memref_squeeze %dma_wait3A_49 : memref<1x10000xf32, #tpu.memory_space<hbm>> -> memref<10000xf32, #tpu.memory_space<hbm>>
      %dma_wait3A_51 = arith.constant 0 : i32
      %dma_wait3A_52 = tpu.memref_slice %arg9[%add3A, %dma_wait3A_51] : memref<32x10000xf32, #tpu.memory_space<hbm>> -> memref<1x10000xf32, #tpu.memory_space<hbm>>
      %dma_wait3A_53 = tpu.memref_squeeze %dma_wait3A_52 : memref<1x10000xf32, #tpu.memory_space<hbm>> -> memref<10000xf32, #tpu.memory_space<hbm>>
      tpu.wait_dma2 semaphore(%run_scoped3A : memref<!tpu.dma_semaphore, #tpu.memory_space<semaphore_mem>>) src(%arg14 : memref<10000xf32, #tpu.memory_space<vmem>>) dst(%dma_wait3A_53 : memref<10000xf32, #tpu.memory_space<hbm>>)
      tpu.yield
    }) : () -> ()
    %scan3A_37 = arith.constant 0 : i32
    %scan3A_38 = arith.constant 0 : i32
    %scan3A_39 = arith.constant 8 : i32
    %scan3A_40 = arith.addi %scan3A_38, %scan3A_39 : i32
    %scan3A_41 = arith.constant 1 : i32
    %scan3A_42 = scf.for %scan3A_44 = %scan3A_38 to %scan3A_40 step %scan3A_41 iter_args(%scan3A_45 = %scan3A_37) -> (i32)  : i32 {
      %mul3A_46 = arith.constant 16 : i32
      %mul3A_47 = arith.muli %scan3A_44, %mul3A_46 : i32
      %add3A_48 = arith.addi %mul3A_47, %arg1 : i32
      %lt3A = arith.constant 125 : i32
      %lt3A_49 = arith.cmpi slt, %add3A_48, %lt3A : i32
      %convert_element_type3A = arith.extui %lt3A_49 : i1 to i32
      %cond3A = arith.constant 0 : i32
      %cond3A_50 = arith.cmpi ne, %convert_element_type3A, %cond3A : i32
      scf.if %cond3A_50 {
        %mul3A_52 = arith.constant 80 : i32
        %mul3A_53 = arith.muli %add3A_48, %mul3A_52 : i32
        "tpu.region"() ({
          %run_scoped3A = tpu.sem_alloc : memref<!tpu.dma_semaphore, #tpu.memory_space<semaphore_mem>>
          %dma_start3A = arith.constant 0 : i32
          %dma_start3A_54 = tpu.memref_slice %arg8[%arg0, %mul3A_53, %dma_start3A] : memref<2x10000x64xf32, #tpu.memory_space<hbm>> -> memref<1x80x64xf32, #tpu.memory_space<hbm>>
          %dma_start3A_55 = tpu.memref_squeeze %dma_start3A_54 : memref<1x80x64xf32, #tpu.memory_space<hbm>> -> memref<80x64xf32, #tpu.memory_space<hbm>>
          %dma_start3A_56 = arith.constant 0 : i32
          %dma_start3A_57 = tpu.memref_slice %arg20[%mul3A_53, %dma_start3A_56] : memref<10000x64xf32, #tpu.memory_space<vmem_shared>> -> memref<80x64xf32, #tpu.memory_space<vmem_shared>>
          tpu.enqueue_dma source(%dma_start3A_57 : memref<80x64xf32, #tpu.memory_space<vmem_shared>>) target(%dma_start3A_55 : memref<80x64xf32, #tpu.memory_space<hbm>>) target_semaphore(%run_scoped3A : memref<!tpu.dma_semaphore, #tpu.memory_space<semaphore_mem>>)
          %dma_wait3A = arith.constant 0 : i32
          %dma_wait3A_58 = tpu.memref_slice %arg8[%arg0, %mul3A_53, %dma_wait3A] : memref<2x10000x64xf32, #tpu.memory_space<hbm>> -> memref<1x80x64xf32, #tpu.memory_space<hbm>>
          %dma_wait3A_59 = tpu.memref_squeeze %dma_wait3A_58 : memref<1x80x64xf32, #tpu.memory_space<hbm>> -> memref<80x64xf32, #tpu.memory_space<hbm>>
          %dma_wait3A_60 = arith.constant 0 : i32
          %dma_wait3A_61 = tpu.memref_slice %arg20[%mul3A_53, %dma_wait3A_60] : memref<10000x64xf32, #tpu.memory_space<vmem_shared>> -> memref<80x64xf32, #tpu.memory_space<vmem_shared>>
          tpu.wait_dma2 semaphore(%run_scoped3A : memref<!tpu.dma_semaphore, #tpu.memory_space<semaphore_mem>>) src(%dma_wait3A_61 : memref<80x64xf32, #tpu.memory_space<vmem_shared>>) dst(%dma_wait3A_59 : memref<80x64xf32, #tpu.memory_space<hbm>>)
          tpu.yield
        }) : () -> ()
      } else {
      }
      %scan3A_51 = arith.constant 0 : i32
      scf.yield %scan3A_51 : i32
    }
    %scan3A_43 = arith.constant 8 : i32
    return
  }
}

#map = affine_map<(d0, d1) -> (0, 0)>
#map1 = affine_map<(d0, d1) -> (0)>
#map2 = affine_map<(d0, d1) -> (0, 0, 0)>
module attributes {stable_mosaic.version = 14 : i64} {
  func.func @_edge_pass(%arg0: i32, %arg1: i32, %arg2: memref<10000x64xf32, #tpu.memory_space<hbm>>, %arg3: memref<10000xf32, #tpu.memory_space<hbm>>, %arg4: memref<10000xf32, #tpu.memory_space<hbm>>, %arg5: memref<32x10000xi32, #tpu.memory_space<hbm>>, %arg6: memref<32x125x80xi32, #tpu.memory_space<hbm>>, %arg7: memref<16xf32, #tpu.memory_space<hbm>>, %arg8: memref<2x10000x64xf32, #tpu.memory_space<hbm>>, %arg9: memref<32x10000xf32, #tpu.memory_space<hbm>>, %arg10: memref<10000xf32, #tpu.memory_space<vmem>>, %arg11: memref<10000xf32, #tpu.memory_space<vmem>>, %arg12: memref<10000xi32, #tpu.memory_space<vmem>>, %arg13: memref<125x80xi32, #tpu.memory_space<vmem>>, %arg14: memref<10000xf32, #tpu.memory_space<vmem>>, %arg15: memref<80xf32, #tpu.memory_space<vmem>>, %arg16: memref<80x64xf32, #tpu.memory_space<vmem>>, %arg17: memref<80x64xf32, #tpu.memory_space<vmem>>, %arg18: memref<16xf32, #tpu.memory_space<vmem>>, %arg19: memref<!tpu.dma_semaphore, #tpu.memory_space<semaphore_mem>>, %arg20: memref<10000x64xf32, #tpu.memory_space<vmem_shared>>) attributes {dimension_semantics = [#tpu.dimension_semantics<core_parallel>, #tpu.dimension_semantics<subcore_parallel>], iteration_bounds = array<i64: 2, 16>, scalar_prefetch = 0 : i64, scratch_operands = 11 : i64, tpu.core_type = #tpu.core_type<sc_vector_subcore>, window_params = [{transform_indices = #map}, {transform_indices = #map1}, {transform_indices = #map1}, {transform_indices = #map}, {transform_indices = #map2}, {transform_indices = #map1}, {transform_indices = #map2}, {transform_indices = #map}]} {
    %mul3A = arith.constant 16 : i32
    %mul3A_0 = arith.muli %arg0, %mul3A : i32
    %add3A = arith.addi %mul3A_0, %arg1 : i32
    "tpu.region"() ({
      %run_scoped3A = tpu.sem_alloc : memref<!tpu.dma_semaphore, #tpu.memory_space<semaphore_mem>>
      tpu.enqueue_dma source(%arg3 : memref<10000xf32, #tpu.memory_space<hbm>>) target(%arg10 : memref<10000xf32, #tpu.memory_space<vmem>>) target_semaphore(%run_scoped3A : memref<!tpu.dma_semaphore, #tpu.memory_space<semaphore_mem>>)
      tpu.wait_dma2 semaphore(%run_scoped3A : memref<!tpu.dma_semaphore, #tpu.memory_space<semaphore_mem>>) src(%arg3 : memref<10000xf32, #tpu.memory_space<hbm>>) dst(%arg10 : memref<10000xf32, #tpu.memory_space<vmem>>)
      tpu.yield
    }) : () -> ()
    "tpu.region"() ({
      %run_scoped3A = tpu.sem_alloc : memref<!tpu.dma_semaphore, #tpu.memory_space<semaphore_mem>>
      tpu.enqueue_dma source(%arg4 : memref<10000xf32, #tpu.memory_space<hbm>>) target(%arg11 : memref<10000xf32, #tpu.memory_space<vmem>>) target_semaphore(%run_scoped3A : memref<!tpu.dma_semaphore, #tpu.memory_space<semaphore_mem>>)
      tpu.wait_dma2 semaphore(%run_scoped3A : memref<!tpu.dma_semaphore, #tpu.memory_space<semaphore_mem>>) src(%arg4 : memref<10000xf32, #tpu.memory_space<hbm>>) dst(%arg11 : memref<10000xf32, #tpu.memory_space<vmem>>)
      tpu.yield
    }) : () -> ()
    "tpu.region"() ({
      %run_scoped3A = tpu.sem_alloc : memref<!tpu.dma_semaphore, #tpu.memory_space<semaphore_mem>>
      tpu.enqueue_dma source(%arg7 : memref<16xf32, #tpu.memory_space<hbm>>) target(%arg18 : memref<16xf32, #tpu.memory_space<vmem>>) target_semaphore(%run_scoped3A : memref<!tpu.dma_semaphore, #tpu.memory_space<semaphore_mem>>)
      tpu.wait_dma2 semaphore(%run_scoped3A : memref<!tpu.dma_semaphore, #tpu.memory_space<semaphore_mem>>) src(%arg7 : memref<16xf32, #tpu.memory_space<hbm>>) dst(%arg18 : memref<16xf32, #tpu.memory_space<vmem>>)
      tpu.yield
    }) : () -> ()
    "tpu.region"() ({
      %run_scoped3A = tpu.sem_alloc : memref<!tpu.dma_semaphore, #tpu.memory_space<semaphore_mem>>
      %dma_start3A = arith.constant 0 : i32
      %dma_start3A_44 = tpu.memref_slice %arg5[%add3A, %dma_start3A] : memref<32x10000xi32, #tpu.memory_space<hbm>> -> memref<1x10000xi32, #tpu.memory_space<hbm>>
      %dma_start3A_45 = tpu.memref_squeeze %dma_start3A_44 : memref<1x10000xi32, #tpu.memory_space<hbm>> -> memref<10000xi32, #tpu.memory_space<hbm>>
      %dma_start3A_46 = arith.constant 0 : i32
      %dma_start3A_47 = tpu.memref_slice %arg5[%add3A, %dma_start3A_46] : memref<32x10000xi32, #tpu.memory_space<hbm>> -> memref<1x10000xi32, #tpu.memory_space<hbm>>
      %dma_start3A_48 = tpu.memref_squeeze %dma_start3A_47 : memref<1x10000xi32, #tpu.memory_space<hbm>> -> memref<10000xi32, #tpu.memory_space<hbm>>
      tpu.enqueue_dma source(%dma_start3A_48 : memref<10000xi32, #tpu.memory_space<hbm>>) target(%arg12 : memref<10000xi32, #tpu.memory_space<vmem>>) target_semaphore(%run_scoped3A : memref<!tpu.dma_semaphore, #tpu.memory_space<semaphore_mem>>)
      %dma_wait3A = arith.constant 0 : i32
      %dma_wait3A_49 = tpu.memref_slice %arg5[%add3A, %dma_wait3A] : memref<32x10000xi32, #tpu.memory_space<hbm>> -> memref<1x10000xi32, #tpu.memory_space<hbm>>
      %dma_wait3A_50 = tpu.memref_squeeze %dma_wait3A_49 : memref<1x10000xi32, #tpu.memory_space<hbm>> -> memref<10000xi32, #tpu.memory_space<hbm>>
      %dma_wait3A_51 = arith.constant 0 : i32
      %dma_wait3A_52 = tpu.memref_slice %arg5[%add3A, %dma_wait3A_51] : memref<32x10000xi32, #tpu.memory_space<hbm>> -> memref<1x10000xi32, #tpu.memory_space<hbm>>
      %dma_wait3A_53 = tpu.memref_squeeze %dma_wait3A_52 : memref<1x10000xi32, #tpu.memory_space<hbm>> -> memref<10000xi32, #tpu.memory_space<hbm>>
      tpu.wait_dma2 semaphore(%run_scoped3A : memref<!tpu.dma_semaphore, #tpu.memory_space<semaphore_mem>>) src(%dma_wait3A_53 : memref<10000xi32, #tpu.memory_space<hbm>>) dst(%arg12 : memref<10000xi32, #tpu.memory_space<vmem>>)
      tpu.yield
    }) : () -> ()
    "tpu.region"() ({
      %run_scoped3A = tpu.sem_alloc : memref<!tpu.dma_semaphore, #tpu.memory_space<semaphore_mem>>
      %dma_start3A = arith.constant 0 : i32
      %dma_start3A_44 = arith.constant 0 : i32
      %dma_start3A_45 = tpu.memref_slice %arg6[%add3A, %dma_start3A, %dma_start3A_44] : memref<32x125x80xi32, #tpu.memory_space<hbm>> -> memref<1x125x80xi32, #tpu.memory_space<hbm>>
      %dma_start3A_46 = tpu.memref_squeeze %dma_start3A_45 : memref<1x125x80xi32, #tpu.memory_space<hbm>> -> memref<125x80xi32, #tpu.memory_space<hbm>>
      %dma_start3A_47 = arith.constant 0 : i32
      %dma_start3A_48 = arith.constant 0 : i32
      %dma_start3A_49 = tpu.memref_slice %arg6[%add3A, %dma_start3A_47, %dma_start3A_48] : memref<32x125x80xi32, #tpu.memory_space<hbm>> -> memref<1x125x80xi32, #tpu.memory_space<hbm>>
      %dma_start3A_50 = tpu.memref_squeeze %dma_start3A_49 : memref<1x125x80xi32, #tpu.memory_space<hbm>> -> memref<125x80xi32, #tpu.memory_space<hbm>>
      tpu.enqueue_dma source(%dma_start3A_50 : memref<125x80xi32, #tpu.memory_space<hbm>>) target(%arg13 : memref<125x80xi32, #tpu.memory_space<vmem>>) target_semaphore(%run_scoped3A : memref<!tpu.dma_semaphore, #tpu.memory_space<semaphore_mem>>)
      %dma_wait3A = arith.constant 0 : i32
      %dma_wait3A_51 = arith.constant 0 : i32
      %dma_wait3A_52 = tpu.memref_slice %arg6[%add3A, %dma_wait3A, %dma_wait3A_51] : memref<32x125x80xi32, #tpu.memory_space<hbm>> -> memref<1x125x80xi32, #tpu.memory_space<hbm>>
      %dma_wait3A_53 = tpu.memref_squeeze %dma_wait3A_52 : memref<1x125x80xi32, #tpu.memory_space<hbm>> -> memref<125x80xi32, #tpu.memory_space<hbm>>
      %dma_wait3A_54 = arith.constant 0 : i32
      %dma_wait3A_55 = arith.constant 0 : i32
      %dma_wait3A_56 = tpu.memref_slice %arg6[%add3A, %dma_wait3A_54, %dma_wait3A_55] : memref<32x125x80xi32, #tpu.memory_space<hbm>> -> memref<1x125x80xi32, #tpu.memory_space<hbm>>
      %dma_wait3A_57 = tpu.memref_squeeze %dma_wait3A_56 : memref<1x125x80xi32, #tpu.memory_space<hbm>> -> memref<125x80xi32, #tpu.memory_space<hbm>>
      tpu.wait_dma2 semaphore(%run_scoped3A : memref<!tpu.dma_semaphore, #tpu.memory_space<semaphore_mem>>) src(%dma_wait3A_57 : memref<125x80xi32, #tpu.memory_space<hbm>>) dst(%arg13 : memref<125x80xi32, #tpu.memory_space<vmem>>)
      tpu.yield
    }) : () -> ()
    %broadcast_in_dim3A = arith.constant 0.000000e+00 : f32
    %broadcast_in_dim3A_1 = vector.broadcast %broadcast_in_dim3A : f32 to vector<16xf32>
    %scan3A = arith.constant 0 : i32
    %scan3A_2 = arith.constant 0 : i32
    %scan3A_3 = arith.constant 80 : i32
    %scan3A_4 = arith.addi %scan3A_2, %scan3A_3 : i32
    %scan3A_5 = arith.constant 4 : i32
    %scan3A_6 = scf.for %scan3A_44 = %scan3A_2 to %scan3A_4 step %scan3A_5 iter_args(%scan3A_45 = %scan3A) -> (i32)  : i32 {
      %swap3A_46 = arith.index_cast %scan3A_44 : i32 to index
      %swap3A_47 = arith.constant 0 : index
      %swap3A_48 = tpu.vector_load %arg17[%swap3A_46, %swap3A_47] {strides = array<i32>} : memref<80x64xf32, #tpu.memory_space<vmem>>, vector<16xf32>,
      tpu.vector_store %arg17[%swap3A_46, %swap3A_47], %broadcast_in_dim3A_1 {strides = array<i32>} : memref<80x64xf32, #tpu.memory_space<vmem>>, vector<16xf32>,
      %swap3A_49 = arith.index_cast %scan3A_44 : i32 to index
      %swap3A_50 = arith.constant 16 : index
      %swap3A_51 = tpu.vector_load %arg17[%swap3A_49, %swap3A_50] {strides = array<i32>} : memref<80x64xf32, #tpu.memory_space<vmem>>, vector<16xf32>,
      tpu.vector_store %arg17[%swap3A_49, %swap3A_50], %broadcast_in_dim3A_1 {strides = array<i32>} : memref<80x64xf32, #tpu.memory_space<vmem>>, vector<16xf32>,
      %swap3A_52 = arith.index_cast %scan3A_44 : i32 to index
      %swap3A_53 = arith.constant 32 : index
      %swap3A_54 = tpu.vector_load %arg17[%swap3A_52, %swap3A_53] {strides = array<i32>} : memref<80x64xf32, #tpu.memory_space<vmem>>, vector<16xf32>,
      tpu.vector_store %arg17[%swap3A_52, %swap3A_53], %broadcast_in_dim3A_1 {strides = array<i32>} : memref<80x64xf32, #tpu.memory_space<vmem>>, vector<16xf32>,
      %swap3A_55 = arith.index_cast %scan3A_44 : i32 to index
      %swap3A_56 = arith.constant 48 : index
      %swap3A_57 = tpu.vector_load %arg17[%swap3A_55, %swap3A_56] {strides = array<i32>} : memref<80x64xf32, #tpu.memory_space<vmem>>, vector<16xf32>,
      tpu.vector_store %arg17[%swap3A_55, %swap3A_56], %broadcast_in_dim3A_1 {strides = array<i32>} : memref<80x64xf32, #tpu.memory_space<vmem>>, vector<16xf32>,
      %scan3A_58 = arith.constant 0 : i32
      %scan3A_59 = arith.constant 1 : i32
      %scan3A_60 = arith.addi %scan3A_44, %scan3A_59 : i32
      %swap3A_61 = arith.index_cast %scan3A_60 : i32 to index
      %swap3A_62 = arith.constant 0 : index
      %swap3A_63 = tpu.vector_load %arg17[%swap3A_61, %swap3A_62] {strides = array<i32>} : memref<80x64xf32, #tpu.memory_space<vmem>>, vector<16xf32>,
      tpu.vector_store %arg17[%swap3A_61, %swap3A_62], %broadcast_in_dim3A_1 {strides = array<i32>} : memref<80x64xf32, #tpu.memory_space<vmem>>, vector<16xf32>,
      %swap3A_64 = arith.index_cast %scan3A_60 : i32 to index
      %swap3A_65 = arith.constant 16 : index
      %swap3A_66 = tpu.vector_load %arg17[%swap3A_64, %swap3A_65] {strides = array<i32>} : memref<80x64xf32, #tpu.memory_space<vmem>>, vector<16xf32>,
      tpu.vector_store %arg17[%swap3A_64, %swap3A_65], %broadcast_in_dim3A_1 {strides = array<i32>} : memref<80x64xf32, #tpu.memory_space<vmem>>, vector<16xf32>,
      %swap3A_67 = arith.index_cast %scan3A_60 : i32 to index
      %swap3A_68 = arith.constant 32 : index
      %swap3A_69 = tpu.vector_load %arg17[%swap3A_67, %swap3A_68] {strides = array<i32>} : memref<80x64xf32, #tpu.memory_space<vmem>>, vector<16xf32>,
      tpu.vector_store %arg17[%swap3A_67, %swap3A_68], %broadcast_in_dim3A_1 {strides = array<i32>} : memref<80x64xf32, #tpu.memory_space<vmem>>, vector<16xf32>,
      %swap3A_70 = arith.index_cast %scan3A_60 : i32 to index
      %swap3A_71 = arith.constant 48 : index
      %swap3A_72 = tpu.vector_load %arg17[%swap3A_70, %swap3A_71] {strides = array<i32>} : memref<80x64xf32, #tpu.memory_space<vmem>>, vector<16xf32>,
      tpu.vector_store %arg17[%swap3A_70, %swap3A_71], %broadcast_in_dim3A_1 {strides = array<i32>} : memref<80x64xf32, #tpu.memory_space<vmem>>, vector<16xf32>,
      %scan3A_73 = arith.constant 0 : i32
      %scan3A_74 = arith.constant 2 : i32
      %scan3A_75 = arith.addi %scan3A_44, %scan3A_74 : i32
      %swap3A_76 = arith.index_cast %scan3A_75 : i32 to index
      %swap3A_77 = arith.constant 0 : index
      %swap3A_78 = tpu.vector_load %arg17[%swap3A_76, %swap3A_77] {strides = array<i32>} : memref<80x64xf32, #tpu.memory_space<vmem>>, vector<16xf32>,
      tpu.vector_store %arg17[%swap3A_76, %swap3A_77], %broadcast_in_dim3A_1 {strides = array<i32>} : memref<80x64xf32, #tpu.memory_space<vmem>>, vector<16xf32>,
      %swap3A_79 = arith.index_cast %scan3A_75 : i32 to index
      %swap3A_80 = arith.constant 16 : index
      %swap3A_81 = tpu.vector_load %arg17[%swap3A_79, %swap3A_80] {strides = array<i32>} : memref<80x64xf32, #tpu.memory_space<vmem>>, vector<16xf32>,
      tpu.vector_store %arg17[%swap3A_79, %swap3A_80], %broadcast_in_dim3A_1 {strides = array<i32>} : memref<80x64xf32, #tpu.memory_space<vmem>>, vector<16xf32>,
      %swap3A_82 = arith.index_cast %scan3A_75 : i32 to index
      %swap3A_83 = arith.constant 32 : index
      %swap3A_84 = tpu.vector_load %arg17[%swap3A_82, %swap3A_83] {strides = array<i32>} : memref<80x64xf32, #tpu.memory_space<vmem>>, vector<16xf32>,
      tpu.vector_store %arg17[%swap3A_82, %swap3A_83], %broadcast_in_dim3A_1 {strides = array<i32>} : memref<80x64xf32, #tpu.memory_space<vmem>>, vector<16xf32>,
      %swap3A_85 = arith.index_cast %scan3A_75 : i32 to index
      %swap3A_86 = arith.constant 48 : index
      %swap3A_87 = tpu.vector_load %arg17[%swap3A_85, %swap3A_86] {strides = array<i32>} : memref<80x64xf32, #tpu.memory_space<vmem>>, vector<16xf32>,
      tpu.vector_store %arg17[%swap3A_85, %swap3A_86], %broadcast_in_dim3A_1 {strides = array<i32>} : memref<80x64xf32, #tpu.memory_space<vmem>>, vector<16xf32>,
      %scan3A_88 = arith.constant 0 : i32
      %scan3A_89 = arith.constant 3 : i32
      %scan3A_90 = arith.addi %scan3A_44, %scan3A_89 : i32
      %swap3A_91 = arith.index_cast %scan3A_90 : i32 to index
      %swap3A_92 = arith.constant 0 : index
      %swap3A_93 = tpu.vector_load %arg17[%swap3A_91, %swap3A_92] {strides = array<i32>} : memref<80x64xf32, #tpu.memory_space<vmem>>, vector<16xf32>,
      tpu.vector_store %arg17[%swap3A_91, %swap3A_92], %broadcast_in_dim3A_1 {strides = array<i32>} : memref<80x64xf32, #tpu.memory_space<vmem>>, vector<16xf32>,
      %swap3A_94 = arith.index_cast %scan3A_90 : i32 to index
      %swap3A_95 = arith.constant 16 : index
      %swap3A_96 = tpu.vector_load %arg17[%swap3A_94, %swap3A_95] {strides = array<i32>} : memref<80x64xf32, #tpu.memory_space<vmem>>, vector<16xf32>,
      tpu.vector_store %arg17[%swap3A_94, %swap3A_95], %broadcast_in_dim3A_1 {strides = array<i32>} : memref<80x64xf32, #tpu.memory_space<vmem>>, vector<16xf32>,
      %swap3A_97 = arith.index_cast %scan3A_90 : i32 to index
      %swap3A_98 = arith.constant 32 : index
      %swap3A_99 = tpu.vector_load %arg17[%swap3A_97, %swap3A_98] {strides = array<i32>} : memref<80x64xf32, #tpu.memory_space<vmem>>, vector<16xf32>,
      tpu.vector_store %arg17[%swap3A_97, %swap3A_98], %broadcast_in_dim3A_1 {strides = array<i32>} : memref<80x64xf32, #tpu.memory_space<vmem>>, vector<16xf32>,
      %swap3A_100 = arith.index_cast %scan3A_90 : i32 to index
      %swap3A_101 = arith.constant 48 : index
      %swap3A_102 = tpu.vector_load %arg17[%swap3A_100, %swap3A_101] {strides = array<i32>} : memref<80x64xf32, #tpu.memory_space<vmem>>, vector<16xf32>,
      tpu.vector_store %arg17[%swap3A_100, %swap3A_101], %broadcast_in_dim3A_1 {strides = array<i32>} : memref<80x64xf32, #tpu.memory_space<vmem>>, vector<16xf32>,
      %scan3A_103 = arith.constant 0 : i32
      scf.yield %scan3A_103 : i32
    }
    %scan3A_7 = arith.constant 80 : i32
    %scan3A_8 = arith.constant 0 : i32
    %scan3A_9 = arith.constant 0 : i32
    %scan3A_10 = arith.constant 624 : i32
    %scan3A_11 = arith.addi %scan3A_9, %scan3A_10 : i32
    %scan3A_12 = arith.constant 4 : i32
    %scan3A_13 = scf.for %scan3A_44 = %scan3A_9 to %scan3A_11 step %scan3A_12 iter_args(%scan3A_45 = %scan3A_8) -> (i32)  : i32 {
      %mul3A_46 = arith.constant 16 : i32
      %mul3A_47 = arith.muli %scan3A_44, %mul3A_46 : i32
      %swap3A_48 = arith.index_cast %mul3A_47 : i32 to index
      %swap3A_49 = tpu.vector_load %arg14[%swap3A_48] {strides = array<i32>} : memref<10000xf32, #tpu.memory_space<vmem>>, vector<16xf32>,
      tpu.vector_store %arg14[%swap3A_48], %broadcast_in_dim3A_1 {strides = array<i32>} : memref<10000xf32, #tpu.memory_space<vmem>>, vector<16xf32>,
      %scan3A_50 = arith.constant 0 : i32
      %scan3A_51 = arith.constant 1 : i32
      %scan3A_52 = arith.addi %scan3A_44, %scan3A_51 : i32
      %mul3A_53 = arith.constant 16 : i32
      %mul3A_54 = arith.muli %scan3A_52, %mul3A_53 : i32
      %swap3A_55 = arith.index_cast %mul3A_54 : i32 to index
      %swap3A_56 = tpu.vector_load %arg14[%swap3A_55] {strides = array<i32>} : memref<10000xf32, #tpu.memory_space<vmem>>, vector<16xf32>,
      tpu.vector_store %arg14[%swap3A_55], %broadcast_in_dim3A_1 {strides = array<i32>} : memref<10000xf32, #tpu.memory_space<vmem>>, vector<16xf32>,
      %scan3A_57 = arith.constant 0 : i32
      %scan3A_58 = arith.constant 2 : i32
      %scan3A_59 = arith.addi %scan3A_44, %scan3A_58 : i32
      %mul3A_60 = arith.constant 16 : i32
      %mul3A_61 = arith.muli %scan3A_59, %mul3A_60 : i32
      %swap3A_62 = arith.index_cast %mul3A_61 : i32 to index
      %swap3A_63 = tpu.vector_load %arg14[%swap3A_62] {strides = array<i32>} : memref<10000xf32, #tpu.memory_space<vmem>>, vector<16xf32>,
      tpu.vector_store %arg14[%swap3A_62], %broadcast_in_dim3A_1 {strides = array<i32>} : memref<10000xf32, #tpu.memory_space<vmem>>, vector<16xf32>,
      %scan3A_64 = arith.constant 0 : i32
      %scan3A_65 = arith.constant 3 : i32
      %scan3A_66 = arith.addi %scan3A_44, %scan3A_65 : i32
      %mul3A_67 = arith.constant 16 : i32
      %mul3A_68 = arith.muli %scan3A_66, %mul3A_67 : i32
      %swap3A_69 = arith.index_cast %mul3A_68 : i32 to index
      %swap3A_70 = tpu.vector_load %arg14[%swap3A_69] {strides = array<i32>} : memref<10000xf32, #tpu.memory_space<vmem>>, vector<16xf32>,
      tpu.vector_store %arg14[%swap3A_69], %broadcast_in_dim3A_1 {strides = array<i32>} : memref<10000xf32, #tpu.memory_space<vmem>>, vector<16xf32>,
      %scan3A_71 = arith.constant 0 : i32
      scf.yield %scan3A_71 : i32
    }
    %scan3A_14 = arith.constant 624 : i32
    %scan3A_15 = arith.addi %scan3A_9, %scan3A_14 : i32
    %mul3A_16 = arith.constant 16 : i32
    %mul3A_17 = arith.muli %scan3A_15, %mul3A_16 : i32
    %swap3A = arith.index_cast %mul3A_17 : i32 to index
    %swap3A_18 = tpu.vector_load %arg14[%swap3A] {strides = array<i32>} : memref<10000xf32, #tpu.memory_space<vmem>>, vector<16xf32>,
    tpu.vector_store %arg14[%swap3A], %broadcast_in_dim3A_1 {strides = array<i32>} : memref<10000xf32, #tpu.memory_space<vmem>>, vector<16xf32>,
    %scan3A_19 = arith.constant 0 : i32
    %scan3A_20 = arith.constant 625 : i32
    %scan3A_21 = arith.constant 0 : i32
    %scan3A_22 = arith.constant 0 : i32
    %scan3A_23 = arith.constant 8 : i32
    %scan3A_24 = arith.addi %scan3A_22, %scan3A_23 : i32
    %scan3A_25 = arith.constant 1 : i32
    %scan3A_26 = scf.for %scan3A_44 = %scan3A_22 to %scan3A_24 step %scan3A_25 iter_args(%scan3A_45 = %scan3A_21) -> (i32)  : i32 {
      %mul3A_46 = arith.constant 16 : i32
      %mul3A_47 = arith.muli %scan3A_44, %mul3A_46 : i32
      %add3A_48 = arith.addi %mul3A_47, %arg1 : i32
      %lt3A = arith.constant 125 : i32
      %lt3A_49 = arith.cmpi slt, %add3A_48, %lt3A : i32
      %convert_element_type3A = arith.extui %lt3A_49 : i1 to i32
      %cond3A = arith.constant 0 : i32
      %cond3A_50 = arith.cmpi ne, %convert_element_type3A, %cond3A : i32
      scf.if %cond3A_50 {
        %mul3A_52 = arith.constant 80 : i32
        %mul3A_53 = arith.muli %add3A_48, %mul3A_52 : i32
        "tpu.region"() ({
          %run_scoped3A = tpu.sem_alloc : memref<!tpu.dma_semaphore, #tpu.memory_space<semaphore_mem>>
          %dma_start3A = arith.constant 0 : i32
          %dma_start3A_54 = tpu.memref_slice %arg20[%mul3A_53, %dma_start3A] : memref<10000x64xf32, #tpu.memory_space<vmem_shared>> -> memref<80x64xf32, #tpu.memory_space<vmem_shared>>
          %dma_start3A_55 = arith.constant 0 : i32
          %dma_start3A_56 = tpu.memref_slice %arg20[%mul3A_53, %dma_start3A_55] : memref<10000x64xf32, #tpu.memory_space<vmem_shared>> -> memref<80x64xf32, #tpu.memory_space<vmem_shared>>
          tpu.enqueue_dma source(%arg17 : memref<80x64xf32, #tpu.memory_space<vmem>>) target(%dma_start3A_56 : memref<80x64xf32, #tpu.memory_space<vmem_shared>>) target_semaphore(%run_scoped3A : memref<!tpu.dma_semaphore, #tpu.memory_space<semaphore_mem>>)
          %dma_wait3A = arith.constant 0 : i32
          %dma_wait3A_57 = tpu.memref_slice %arg20[%mul3A_53, %dma_wait3A] : memref<10000x64xf32, #tpu.memory_space<vmem_shared>> -> memref<80x64xf32, #tpu.memory_space<vmem_shared>>
          %dma_wait3A_58 = arith.constant 0 : i32
          %dma_wait3A_59 = tpu.memref_slice %arg20[%mul3A_53, %dma_wait3A_58] : memref<10000x64xf32, #tpu.memory_space<vmem_shared>> -> memref<80x64xf32, #tpu.memory_space<vmem_shared>>
          tpu.wait_dma2 semaphore(%run_scoped3A : memref<!tpu.dma_semaphore, #tpu.memory_space<semaphore_mem>>) src(%arg17 : memref<80x64xf32, #tpu.memory_space<vmem>>) dst(%dma_wait3A_59 : memref<80x64xf32, #tpu.memory_space<vmem_shared>>)
          tpu.yield
        }) : () -> ()
      } else {
      }
      %scan3A_51 = arith.constant 0 : i32
      scf.yield %scan3A_51 : i32
    }
    %scan3A_27 = arith.constant 8 : i32
    %barrier3A = arith.constant 0 : index
    tpu.barrier barrier_id(%barrier3A)
    %get3A = arith.constant 0 : index
    %get3A_28 = tpu.vector_load %arg18[%get3A] {strides = array<i32>} : memref<16xf32, #tpu.memory_space<vmem>>, vector<16xf32>,
    %scan3A_29 = arith.constant 0 : i32
    %scan3A_30 = arith.constant 0 : i32
    %scan3A_31 = arith.constant 125 : i32
    %scan3A_32 = arith.addi %scan3A_30, %scan3A_31 : i32
    %scan3A_33 = arith.constant 1 : i32
    %scan3A_34 = scf.for %scan3A_44 = %scan3A_30 to %scan3A_32 step %scan3A_33 iter_args(%scan3A_45 = %scan3A_29) -> (i32)  : i32 {
      %mul3A_46 = arith.constant 80 : i32
      %mul3A_47 = arith.muli %scan3A_44, %mul3A_46 : i32
      %dma_start3A = tpu.memref_slice %arg12[%mul3A_47] : memref<10000xi32, #tpu.memory_space<vmem>> -> memref<80xi32, #tpu.memory_space<vmem>>
      %dma_start3A_48 = arith.constant 0 : i32
      %dma_start3A_49 = arith.constant 0 : i32
      %dma_start3A_50 = tpu.memref_slice %arg2[%dma_start3A_48, %dma_start3A_49] : memref<10000x64xf32, #tpu.memory_space<hbm>> -> memref<10000x64xf32, #tpu.memory_space<hbm>>
      tpu.enqueue_indirect_dma source(%dma_start3A_50 : memref<10000x64xf32, #tpu.memory_space<hbm>>) target(%arg16 : memref<80x64xf32, #tpu.memory_space<vmem>>) offsets(%dma_start3A : memref<80xi32, #tpu.memory_space<vmem>>) semaphore(%arg19 : memref<!tpu.dma_semaphore, #tpu.memory_space<semaphore_mem>>)
      %add3A_51 = arith.constant 0 : i32
      %add3A_52 = arith.addi %mul3A_47, %add3A_51 : i32
      %get3A_53 = arith.index_cast %add3A_52 : i32 to index
      %get3A_54 = tpu.vector_load %arg12[%get3A_53] {strides = array<i32>} : memref<10000xi32, #tpu.memory_space<vmem>>, vector<16xi32>,
      %get3A_55 = arith.index_cast %scan3A_44 : i32 to index
      %get3A_56 = arith.constant 0 : index
      %get3A_57 = tpu.vector_load %arg13[%get3A_55, %get3A_56] {strides = array<i32>} : memref<125x80xi32, #tpu.memory_space<vmem>>, vector<16xi32>,
      %gather3A = tpu.vector_load_idx %arg10[%get3A_54] : memref<10000xf32, #tpu.memory_space<vmem>>[vector<16xi32>], vector<16xf32>,
      %gather3A_58 = tpu.vector_load_idx %arg11[%get3A_57] : memref<10000xf32, #tpu.memory_space<vmem>>[vector<16xi32>], vector<16xf32>,
      %add3A_59 = arith.addf %gather3A, %gather3A_58 : vector<16xf32>
      %ge3A = arith.constant 0.000000e+00 : f32
      %ge3A_60 = vector.broadcast %ge3A : f32 to vector<16xf32>
      %ge3A_61 = arith.cmpf oge, %add3A_59, %ge3A_60 : vector<16xf32>
      %mul3A_62 = arith.constant 2.000000e-01 : f32
      %mul3A_63 = vector.broadcast %mul3A_62 : f32 to vector<16xf32>
      %mul3A_64 = arith.mulf %mul3A_63, %add3A_59 : vector<16xf32>
      %select_n3A = arith.select %ge3A_61, %add3A_59, %mul3A_64 : vector<16xi1>, vector<16xf32>
      %sub3A = arith.subf %select_n3A, %get3A_28 : vector<16xf32>
      %exp3A = math.exp %sub3A : vector<16xf32>
      %swap3A_65 = arith.constant 0 : index
      %swap3A_66 = tpu.vector_load %arg15[%swap3A_65] {strides = array<i32>} : memref<80xf32, #tpu.memory_space<vmem>>, vector<16xf32>,
      tpu.vector_store %arg15[%swap3A_65], %exp3A {strides = array<i32>} : memref<80xf32, #tpu.memory_space<vmem>>, vector<16xf32>,
      tpu.vector_store_idx %arg14[%get3A_57], %exp3A {add = true} : memref<10000xf32, #tpu.memory_space<vmem>>[vector<16xi32>], vector<16xf32>,
      %add3A_67 = arith.constant 16 : i32
      %add3A_68 = arith.addi %mul3A_47, %add3A_67 : i32
      %get3A_69 = arith.index_cast %add3A_68 : i32 to index
      %get3A_70 = tpu.vector_load %arg12[%get3A_69] {strides = array<i32>} : memref<10000xi32, #tpu.memory_space<vmem>>, vector<16xi32>,
      %get3A_71 = arith.index_cast %scan3A_44 : i32 to index
      %get3A_72 = arith.constant 16 : index
      %get3A_73 = tpu.vector_load %arg13[%get3A_71, %get3A_72] {strides = array<i32>} : memref<125x80xi32, #tpu.memory_space<vmem>>, vector<16xi32>,
      %gather3A_74 = tpu.vector_load_idx %arg10[%get3A_70] : memref<10000xf32, #tpu.memory_space<vmem>>[vector<16xi32>], vector<16xf32>,
      %gather3A_75 = tpu.vector_load_idx %arg11[%get3A_73] : memref<10000xf32, #tpu.memory_space<vmem>>[vector<16xi32>], vector<16xf32>,
      %add3A_76 = arith.addf %gather3A_74, %gather3A_75 : vector<16xf32>
      %ge3A_77 = arith.constant 0.000000e+00 : f32
      %ge3A_78 = vector.broadcast %ge3A_77 : f32 to vector<16xf32>
      %ge3A_79 = arith.cmpf oge, %add3A_76, %ge3A_78 : vector<16xf32>
      %mul3A_80 = arith.constant 2.000000e-01 : f32
      %mul3A_81 = vector.broadcast %mul3A_80 : f32 to vector<16xf32>
      %mul3A_82 = arith.mulf %mul3A_81, %add3A_76 : vector<16xf32>
      %select_n3A_83 = arith.select %ge3A_79, %add3A_76, %mul3A_82 : vector<16xi1>, vector<16xf32>
      %sub3A_84 = arith.subf %select_n3A_83, %get3A_28 : vector<16xf32>
      %exp3A_85 = math.exp %sub3A_84 : vector<16xf32>
      %swap3A_86 = arith.constant 16 : index
      %swap3A_87 = tpu.vector_load %arg15[%swap3A_86] {strides = array<i32>} : memref<80xf32, #tpu.memory_space<vmem>>, vector<16xf32>,
      tpu.vector_store %arg15[%swap3A_86], %exp3A_85 {strides = array<i32>} : memref<80xf32, #tpu.memory_space<vmem>>, vector<16xf32>,
      tpu.vector_store_idx %arg14[%get3A_73], %exp3A_85 {add = true} : memref<10000xf32, #tpu.memory_space<vmem>>[vector<16xi32>], vector<16xf32>,
      %add3A_88 = arith.constant 32 : i32
      %add3A_89 = arith.addi %mul3A_47, %add3A_88 : i32
      %get3A_90 = arith.index_cast %add3A_89 : i32 to index
      %get3A_91 = tpu.vector_load %arg12[%get3A_90] {strides = array<i32>} : memref<10000xi32, #tpu.memory_space<vmem>>, vector<16xi32>,
      %get3A_92 = arith.index_cast %scan3A_44 : i32 to index
      %get3A_93 = arith.constant 32 : index
      %get3A_94 = tpu.vector_load %arg13[%get3A_92, %get3A_93] {strides = array<i32>} : memref<125x80xi32, #tpu.memory_space<vmem>>, vector<16xi32>,
      %gather3A_95 = tpu.vector_load_idx %arg10[%get3A_91] : memref<10000xf32, #tpu.memory_space<vmem>>[vector<16xi32>], vector<16xf32>,
      %gather3A_96 = tpu.vector_load_idx %arg11[%get3A_94] : memref<10000xf32, #tpu.memory_space<vmem>>[vector<16xi32>], vector<16xf32>,
      %add3A_97 = arith.addf %gather3A_95, %gather3A_96 : vector<16xf32>
      %ge3A_98 = arith.constant 0.000000e+00 : f32
      %ge3A_99 = vector.broadcast %ge3A_98 : f32 to vector<16xf32>
      %ge3A_100 = arith.cmpf oge, %add3A_97, %ge3A_99 : vector<16xf32>
      %mul3A_101 = arith.constant 2.000000e-01 : f32
      %mul3A_102 = vector.broadcast %mul3A_101 : f32 to vector<16xf32>
      %mul3A_103 = arith.mulf %mul3A_102, %add3A_97 : vector<16xf32>
      %select_n3A_104 = arith.select %ge3A_100, %add3A_97, %mul3A_103 : vector<16xi1>, vector<16xf32>
      %sub3A_105 = arith.subf %select_n3A_104, %get3A_28 : vector<16xf32>
      %exp3A_106 = math.exp %sub3A_105 : vector<16xf32>
      %swap3A_107 = arith.constant 32 : index
      %swap3A_108 = tpu.vector_load %arg15[%swap3A_107] {strides = array<i32>} : memref<80xf32, #tpu.memory_space<vmem>>, vector<16xf32>,
      tpu.vector_store %arg15[%swap3A_107], %exp3A_106 {strides = array<i32>} : memref<80xf32, #tpu.memory_space<vmem>>, vector<16xf32>,
      tpu.vector_store_idx %arg14[%get3A_94], %exp3A_106 {add = true} : memref<10000xf32, #tpu.memory_space<vmem>>[vector<16xi32>], vector<16xf32>,
      %add3A_109 = arith.constant 48 : i32
      %add3A_110 = arith.addi %mul3A_47, %add3A_109 : i32
      %get3A_111 = arith.index_cast %add3A_110 : i32 to index
      %get3A_112 = tpu.vector_load %arg12[%get3A_111] {strides = array<i32>} : memref<10000xi32, #tpu.memory_space<vmem>>, vector<16xi32>,
      %get3A_113 = arith.index_cast %scan3A_44 : i32 to index
      %get3A_114 = arith.constant 48 : index
      %get3A_115 = tpu.vector_load %arg13[%get3A_113, %get3A_114] {strides = array<i32>} : memref<125x80xi32, #tpu.memory_space<vmem>>, vector<16xi32>,
      %gather3A_116 = tpu.vector_load_idx %arg10[%get3A_112] : memref<10000xf32, #tpu.memory_space<vmem>>[vector<16xi32>], vector<16xf32>,
      %gather3A_117 = tpu.vector_load_idx %arg11[%get3A_115] : memref<10000xf32, #tpu.memory_space<vmem>>[vector<16xi32>], vector<16xf32>,
      %add3A_118 = arith.addf %gather3A_116, %gather3A_117 : vector<16xf32>
      %ge3A_119 = arith.constant 0.000000e+00 : f32
      %ge3A_120 = vector.broadcast %ge3A_119 : f32 to vector<16xf32>
      %ge3A_121 = arith.cmpf oge, %add3A_118, %ge3A_120 : vector<16xf32>
      %mul3A_122 = arith.constant 2.000000e-01 : f32
      %mul3A_123 = vector.broadcast %mul3A_122 : f32 to vector<16xf32>
      %mul3A_124 = arith.mulf %mul3A_123, %add3A_118 : vector<16xf32>
      %select_n3A_125 = arith.select %ge3A_121, %add3A_118, %mul3A_124 : vector<16xi1>, vector<16xf32>
      %sub3A_126 = arith.subf %select_n3A_125, %get3A_28 : vector<16xf32>
      %exp3A_127 = math.exp %sub3A_126 : vector<16xf32>
      %swap3A_128 = arith.constant 48 : index
      %swap3A_129 = tpu.vector_load %arg15[%swap3A_128] {strides = array<i32>} : memref<80xf32, #tpu.memory_space<vmem>>, vector<16xf32>,
      tpu.vector_store %arg15[%swap3A_128], %exp3A_127 {strides = array<i32>} : memref<80xf32, #tpu.memory_space<vmem>>, vector<16xf32>,
      tpu.vector_store_idx %arg14[%get3A_115], %exp3A_127 {add = true} : memref<10000xf32, #tpu.memory_space<vmem>>[vector<16xi32>], vector<16xf32>,
      %add3A_130 = arith.constant 64 : i32
      %add3A_131 = arith.addi %mul3A_47, %add3A_130 : i32
      %get3A_132 = arith.index_cast %add3A_131 : i32 to index
      %get3A_133 = tpu.vector_load %arg12[%get3A_132] {strides = array<i32>} : memref<10000xi32, #tpu.memory_space<vmem>>, vector<16xi32>,
      %get3A_134 = arith.index_cast %scan3A_44 : i32 to index
      %get3A_135 = arith.constant 64 : index
      %get3A_136 = tpu.vector_load %arg13[%get3A_134, %get3A_135] {strides = array<i32>} : memref<125x80xi32, #tpu.memory_space<vmem>>, vector<16xi32>,
      %gather3A_137 = tpu.vector_load_idx %arg10[%get3A_133] : memref<10000xf32, #tpu.memory_space<vmem>>[vector<16xi32>], vector<16xf32>,
      %gather3A_138 = tpu.vector_load_idx %arg11[%get3A_136] : memref<10000xf32, #tpu.memory_space<vmem>>[vector<16xi32>], vector<16xf32>,
      %add3A_139 = arith.addf %gather3A_137, %gather3A_138 : vector<16xf32>
      %ge3A_140 = arith.constant 0.000000e+00 : f32
      %ge3A_141 = vector.broadcast %ge3A_140 : f32 to vector<16xf32>
      %ge3A_142 = arith.cmpf oge, %add3A_139, %ge3A_141 : vector<16xf32>
      %mul3A_143 = arith.constant 2.000000e-01 : f32
      %mul3A_144 = vector.broadcast %mul3A_143 : f32 to vector<16xf32>
      %mul3A_145 = arith.mulf %mul3A_144, %add3A_139 : vector<16xf32>
      %select_n3A_146 = arith.select %ge3A_142, %add3A_139, %mul3A_145 : vector<16xi1>, vector<16xf32>
      %sub3A_147 = arith.subf %select_n3A_146, %get3A_28 : vector<16xf32>
      %exp3A_148 = math.exp %sub3A_147 : vector<16xf32>
      %swap3A_149 = arith.constant 64 : index
      %swap3A_150 = tpu.vector_load %arg15[%swap3A_149] {strides = array<i32>} : memref<80xf32, #tpu.memory_space<vmem>>, vector<16xf32>,
      tpu.vector_store %arg15[%swap3A_149], %exp3A_148 {strides = array<i32>} : memref<80xf32, #tpu.memory_space<vmem>>, vector<16xf32>,
      tpu.vector_store_idx %arg14[%get3A_136], %exp3A_148 {add = true} : memref<10000xf32, #tpu.memory_space<vmem>>[vector<16xi32>], vector<16xf32>,
      %dma_wait3A = tpu.memref_slice %arg12[%mul3A_47] : memref<10000xi32, #tpu.memory_space<vmem>> -> memref<80xi32, #tpu.memory_space<vmem>>
      %dma_wait3A_151 = arith.constant 0 : i32
      %dma_wait3A_152 = arith.constant 0 : i32
      %dma_wait3A_153 = tpu.memref_slice %arg2[%dma_wait3A_151, %dma_wait3A_152] : memref<10000x64xf32, #tpu.memory_space<hbm>> -> memref<10000x64xf32, #tpu.memory_space<hbm>>
      tpu.wait_indirect_dma semaphore(%arg19 : memref<!tpu.dma_semaphore, #tpu.memory_space<semaphore_mem>>) src(%dma_wait3A_153 : memref<10000x64xf32, #tpu.memory_space<hbm>>) dst(%arg16 : memref<80x64xf32, #tpu.memory_space<vmem>>)
      %scan3A_154 = arith.constant 0 : i32
      %scan3A_155 = arith.constant 0 : i32
      %scan3A_156 = arith.constant 80 : i32
      %scan3A_157 = arith.addi %scan3A_155, %scan3A_156 : i32
      %scan3A_158 = arith.constant 1 : i32
      %scan3A_159 = scf.for %scan3A_162 = %scan3A_155 to %scan3A_157 step %scan3A_158 iter_args(%scan3A_163 = %scan3A_154) -> (i32)  : i32 {
        %broadcast_in_dim3A_164 = vector.broadcast %scan3A_162 : i32 to vector<16xi32>
        %gather3A_165 = tpu.vector_load_idx %arg15[%broadcast_in_dim3A_164] : memref<80xf32, #tpu.memory_space<vmem>>[vector<16xi32>], vector<16xf32>,
        %get3A_166 = arith.index_cast %scan3A_162 : i32 to index
        %get3A_167 = arith.constant 0 : index
        %get3A_168 = tpu.vector_load %arg16[%get3A_166, %get3A_167] {strides = array<i32>} : memref<80x64xf32, #tpu.memory_space<vmem>>, vector<16xf32>,
        %mul3A_169 = arith.mulf %get3A_168, %gather3A_165 : vector<16xf32>
        %swap3A_170 = arith.index_cast %scan3A_162 : i32 to index
        %swap3A_171 = arith.constant 0 : index
        %swap3A_172 = tpu.vector_load %arg16[%swap3A_170, %swap3A_171] {strides = array<i32>} : memref<80x64xf32, #tpu.memory_space<vmem>>, vector<16xf32>,
        tpu.vector_store %arg16[%swap3A_170, %swap3A_171], %mul3A_169 {strides = array<i32>} : memref<80x64xf32, #tpu.memory_space<vmem>>, vector<16xf32>,
        %get3A_173 = arith.index_cast %scan3A_162 : i32 to index
        %get3A_174 = arith.constant 16 : index
        %get3A_175 = tpu.vector_load %arg16[%get3A_173, %get3A_174] {strides = array<i32>} : memref<80x64xf32, #tpu.memory_space<vmem>>, vector<16xf32>,
        %mul3A_176 = arith.mulf %get3A_175, %gather3A_165 : vector<16xf32>
        %swap3A_177 = arith.index_cast %scan3A_162 : i32 to index
        %swap3A_178 = arith.constant 16 : index
        %swap3A_179 = tpu.vector_load %arg16[%swap3A_177, %swap3A_178] {strides = array<i32>} : memref<80x64xf32, #tpu.memory_space<vmem>>, vector<16xf32>,
        tpu.vector_store %arg16[%swap3A_177, %swap3A_178], %mul3A_176 {strides = array<i32>} : memref<80x64xf32, #tpu.memory_space<vmem>>, vector<16xf32>,
        %get3A_180 = arith.index_cast %scan3A_162 : i32 to index
        %get3A_181 = arith.constant 32 : index
        %get3A_182 = tpu.vector_load %arg16[%get3A_180, %get3A_181] {strides = array<i32>} : memref<80x64xf32, #tpu.memory_space<vmem>>, vector<16xf32>,
        %mul3A_183 = arith.mulf %get3A_182, %gather3A_165 : vector<16xf32>
        %swap3A_184 = arith.index_cast %scan3A_162 : i32 to index
        %swap3A_185 = arith.constant 32 : index
        %swap3A_186 = tpu.vector_load %arg16[%swap3A_184, %swap3A_185] {strides = array<i32>} : memref<80x64xf32, #tpu.memory_space<vmem>>, vector<16xf32>,
        tpu.vector_store %arg16[%swap3A_184, %swap3A_185], %mul3A_183 {strides = array<i32>} : memref<80x64xf32, #tpu.memory_space<vmem>>, vector<16xf32>,
        %get3A_187 = arith.index_cast %scan3A_162 : i32 to index
        %get3A_188 = arith.constant 48 : index
        %get3A_189 = tpu.vector_load %arg16[%get3A_187, %get3A_188] {strides = array<i32>} : memref<80x64xf32, #tpu.memory_space<vmem>>, vector<16xf32>,
        %mul3A_190 = arith.mulf %get3A_189, %gather3A_165 : vector<16xf32>
        %swap3A_191 = arith.index_cast %scan3A_162 : i32 to index
        %swap3A_192 = arith.constant 48 : index
        %swap3A_193 = tpu.vector_load %arg16[%swap3A_191, %swap3A_192] {strides = array<i32>} : memref<80x64xf32, #tpu.memory_space<vmem>>, vector<16xf32>,
        tpu.vector_store %arg16[%swap3A_191, %swap3A_192], %mul3A_190 {strides = array<i32>} : memref<80x64xf32, #tpu.memory_space<vmem>>, vector<16xf32>,
        %scan3A_194 = arith.constant 0 : i32
        scf.yield %scan3A_194 : i32
      }
      %scan3A_160 = arith.constant 80 : i32
      "tpu.region"() ({
        %run_scoped3A = tpu.sem_alloc : memref<!tpu.dma_semaphore, #tpu.memory_space<semaphore_mem>>
        %dma_start3A_162 = arith.constant 0 : i32
        %dma_start3A_163 = tpu.memref_slice %arg13[%scan3A_44, %dma_start3A_162] : memref<125x80xi32, #tpu.memory_space<vmem>> -> memref<1x80xi32, #tpu.memory_space<vmem>>
        %dma_start3A_164 = tpu.memref_squeeze %dma_start3A_163 : memref<1x80xi32, #tpu.memory_space<vmem>> -> memref<80xi32, #tpu.memory_space<vmem>>
        %dma_start3A_165 = arith.constant 0 : i32
        %dma_start3A_166 = arith.constant 0 : i32
        %dma_start3A_167 = tpu.memref_slice %arg20[%dma_start3A_165, %dma_start3A_166] : memref<10000x64xf32, #tpu.memory_space<vmem_shared>> -> memref<10000x64xf32, #tpu.memory_space<vmem_shared>>
        tpu.enqueue_indirect_dma source(%arg16 : memref<80x64xf32, #tpu.memory_space<vmem>>) target(%dma_start3A_167 : memref<10000x64xf32, #tpu.memory_space<vmem_shared>>) offsets(%dma_start3A_164 : memref<80xi32, #tpu.memory_space<vmem>>) semaphore(%run_scoped3A : memref<!tpu.dma_semaphore, #tpu.memory_space<semaphore_mem>>) {add = true}
        %dma_wait3A_168 = arith.constant 0 : i32
        %dma_wait3A_169 = tpu.memref_slice %arg13[%scan3A_44, %dma_wait3A_168] : memref<125x80xi32, #tpu.memory_space<vmem>> -> memref<1x80xi32, #tpu.memory_space<vmem>>
        %dma_wait3A_170 = tpu.memref_squeeze %dma_wait3A_169 : memref<1x80xi32, #tpu.memory_space<vmem>> -> memref<80xi32, #tpu.memory_space<vmem>>
        %dma_wait3A_171 = arith.constant 0 : i32
        %dma_wait3A_172 = arith.constant 0 : i32
        %dma_wait3A_173 = tpu.memref_slice %arg20[%dma_wait3A_171, %dma_wait3A_172] : memref<10000x64xf32, #tpu.memory_space<vmem_shared>> -> memref<10000x64xf32, #tpu.memory_space<vmem_shared>>
        tpu.wait_indirect_dma semaphore(%run_scoped3A : memref<!tpu.dma_semaphore, #tpu.memory_space<semaphore_mem>>) src(%arg16 : memref<80x64xf32, #tpu.memory_space<vmem>>) dst(%dma_wait3A_173 : memref<10000x64xf32, #tpu.memory_space<vmem_shared>>)
        tpu.yield
      }) : () -> ()
      %scan3A_161 = arith.constant 0 : i32
      scf.yield %scan3A_161 : i32
    }
    %scan3A_35 = arith.constant 125 : i32
    %barrier3A_36 = arith.constant 0 : index
    tpu.barrier barrier_id(%barrier3A_36)
    "tpu.region"() ({
      %run_scoped3A = tpu.sem_alloc : memref<!tpu.dma_semaphore, #tpu.memory_space<semaphore_mem>>
      %dma_start3A = arith.constant 0 : i32
      %dma_start3A_44 = tpu.memref_slice %arg9[%add3A, %dma_start3A] : memref<32x10000xf32, #tpu.memory_space<hbm>> -> memref<1x10000xf32, #tpu.memory_space<hbm>>
      %dma_start3A_45 = tpu.memref_squeeze %dma_start3A_44 : memref<1x10000xf32, #tpu.memory_space<hbm>> -> memref<10000xf32, #tpu.memory_space<hbm>>
      %dma_start3A_46 = arith.constant 0 : i32
      %dma_start3A_47 = tpu.memref_slice %arg9[%add3A, %dma_start3A_46] : memref<32x10000xf32, #tpu.memory_space<hbm>> -> memref<1x10000xf32, #tpu.memory_space<hbm>>
      %dma_start3A_48 = tpu.memref_squeeze %dma_start3A_47 : memref<1x10000xf32, #tpu.memory_space<hbm>> -> memref<10000xf32, #tpu.memory_space<hbm>>
      tpu.enqueue_dma source(%arg14 : memref<10000xf32, #tpu.memory_space<vmem>>) target(%dma_start3A_48 : memref<10000xf32, #tpu.memory_space<hbm>>) target_semaphore(%run_scoped3A : memref<!tpu.dma_semaphore, #tpu.memory_space<semaphore_mem>>)
      %dma_wait3A = arith.constant 0 : i32
      %dma_wait3A_49 = tpu.memref_slice %arg9[%add3A, %dma_wait3A] : memref<32x10000xf32, #tpu.memory_space<hbm>> -> memref<1x10000xf32, #tpu.memory_space<hbm>>
      %dma_wait3A_50 = tpu.memref_squeeze %dma_wait3A_49 : memref<1x10000xf32, #tpu.memory_space<hbm>> -> memref<10000xf32, #tpu.memory_space<hbm>>
      %dma_wait3A_51 = arith.constant 0 : i32
      %dma_wait3A_52 = tpu.memref_slice %arg9[%add3A, %dma_wait3A_51] : memref<32x10000xf32, #tpu.memory_space<hbm>> -> memref<1x10000xf32, #tpu.memory_space<hbm>>
      %dma_wait3A_53 = tpu.memref_squeeze %dma_wait3A_52 : memref<1x10000xf32, #tpu.memory_space<hbm>> -> memref<10000xf32, #tpu.memory_space<hbm>>
      tpu.wait_dma2 semaphore(%run_scoped3A : memref<!tpu.dma_semaphore, #tpu.memory_space<semaphore_mem>>) src(%arg14 : memref<10000xf32, #tpu.memory_space<vmem>>) dst(%dma_wait3A_53 : memref<10000xf32, #tpu.memory_space<hbm>>)
      tpu.yield
    }) : () -> ()
    %scan3A_37 = arith.constant 0 : i32
    %scan3A_38 = arith.constant 0 : i32
    %scan3A_39 = arith.constant 8 : i32
    %scan3A_40 = arith.addi %scan3A_38, %scan3A_39 : i32
    %scan3A_41 = arith.constant 1 : i32
    %scan3A_42 = scf.for %scan3A_44 = %scan3A_38 to %scan3A_40 step %scan3A_41 iter_args(%scan3A_45 = %scan3A_37) -> (i32)  : i32 {
      %mul3A_46 = arith.constant 16 : i32
      %mul3A_47 = arith.muli %scan3A_44, %mul3A_46 : i32
      %add3A_48 = arith.addi %mul3A_47, %arg1 : i32
      %lt3A = arith.constant 125 : i32
      %lt3A_49 = arith.cmpi slt, %add3A_48, %lt3A : i32
      %convert_element_type3A = arith.extui %lt3A_49 : i1 to i32
      %cond3A = arith.constant 0 : i32
      %cond3A_50 = arith.cmpi ne, %convert_element_type3A, %cond3A : i32
      scf.if %cond3A_50 {
        %mul3A_52 = arith.constant 80 : i32
        %mul3A_53 = arith.muli %add3A_48, %mul3A_52 : i32
        "tpu.region"() ({
          %run_scoped3A = tpu.sem_alloc : memref<!tpu.dma_semaphore, #tpu.memory_space<semaphore_mem>>
          %dma_start3A = arith.constant 0 : i32
          %dma_start3A_54 = tpu.memref_slice %arg8[%arg0, %mul3A_53, %dma_start3A] : memref<2x10000x64xf32, #tpu.memory_space<hbm>> -> memref<1x80x64xf32, #tpu.memory_space<hbm>>
          %dma_start3A_55 = tpu.memref_squeeze %dma_start3A_54 : memref<1x80x64xf32, #tpu.memory_space<hbm>> -> memref<80x64xf32, #tpu.memory_space<hbm>>
          %dma_start3A_56 = arith.constant 0 : i32
          %dma_start3A_57 = tpu.memref_slice %arg20[%mul3A_53, %dma_start3A_56] : memref<10000x64xf32, #tpu.memory_space<vmem_shared>> -> memref<80x64xf32, #tpu.memory_space<vmem_shared>>
          tpu.enqueue_dma source(%dma_start3A_57 : memref<80x64xf32, #tpu.memory_space<vmem_shared>>) target(%dma_start3A_55 : memref<80x64xf32, #tpu.memory_space<hbm>>) target_semaphore(%run_scoped3A : memref<!tpu.dma_semaphore, #tpu.memory_space<semaphore_mem>>)
          %dma_wait3A = arith.constant 0 : i32
          %dma_wait3A_58 = tpu.memref_slice %arg8[%arg0, %mul3A_53, %dma_wait3A] : memref<2x10000x64xf32, #tpu.memory_space<hbm>> -> memref<1x80x64xf32, #tpu.memory_space<hbm>>
          %dma_wait3A_59 = tpu.memref_squeeze %dma_wait3A_58 : memref<1x80x64xf32, #tpu.memory_space<hbm>> -> memref<80x64xf32, #tpu.memory_space<hbm>>
          %dma_wait3A_60 = arith.constant 0 : i32
          %dma_wait3A_61 = tpu.memref_slice %arg20[%mul3A_53, %dma_wait3A_60] : memref<10000x64xf32, #tpu.memory_space<vmem_shared>> -> memref<80x64xf32, #tpu.memory_space<vmem_shared>>
          tpu.wait_dma2 semaphore(%run_scoped3A : memref<!tpu.dma_semaphore, #tpu.memory_space<semaphore_mem>>) src(%dma_wait3A_61 : memref<80x64xf32, #tpu.memory_space<vmem_shared>>) dst(%dma_wait3A_59 : memref<80x64xf32, #tpu.memory_space<hbm>>)
          tpu.yield
        }) : () -> ()
      } else {
      }
      %scan3A_51 = arith.constant 0 : i32
      scf.yield %scan3A_51 : i32
    }
    %scan3A_43 = arith.constant 8 : i32
    return
  }
}

module attributes {stable_mosaic.version = 14 : i64} {
  func.func @_prep_body(%arg0: memref<10000x128xf32, #tpu.memory_space<vmem>>, %arg1: memref<128x64xf32, #tpu.memory_space<vmem>>, %arg2: memref<64x1xf32, #tpu.memory_space<vmem>>, %arg3: memref<64x1xf32, #tpu.memory_space<vmem>>, %arg4: memref<10000x64xf32, #tpu.memory_space<vmem>>, %arg5: memref<10000x1xf32, #tpu.memory_space<vmem>>, %arg6: memref<10000x1xf32, #tpu.memory_space<vmem>>, %arg7: memref<1x1xf32, #tpu.memory_space<vmem>>) attributes {dimension_semantics = [], scalar_prefetch = 0 : i64, scratch_operands = 0 : i64, tpu.core_type = #tpu.core_type<tc>} {
    %get3A = arith.constant 0 : index
    %get3A_0 = arith.constant 0 : index
    %get3A_1 = vector.load %arg0[%get3A, %get3A_0] : memref<10000x128xf32, #tpu.memory_space<vmem>>, vector<10000x128xf32>
    %get3A_2 = arith.constant 0 : index
    %get3A_3 = arith.constant 0 : index
    %get3A_4 = vector.load %arg1[%get3A_2, %get3A_3] : memref<128x64xf32, #tpu.memory_space<vmem>>, vector<128x64xf32>
    %dot_general3A = arith.constant dense<0.000000e+00> : vector<10000x64xf32>
    %dot_general3A_5 = tpu.matmul %get3A_1, %get3A_4, %dot_general3A {dimension_numbers = #tpu.dot_dimension_numbers<[1], [0], [0], [1], [0, 0, 1, 1], [], []>, transpose_lhs_hint = false} : vector<10000x128xf32>, vector<128x64xf32>, vector<10000x64xf32> -> vector<10000x64xf32>
    %swap3A = arith.constant 0 : index
    %swap3A_6 = arith.constant 0 : index
    %swap3A_7 = vector.load %arg4[%swap3A, %swap3A_6] : memref<10000x64xf32, #tpu.memory_space<vmem>>, vector<10000x64xf32>
    tpu.vector_store %arg4[%swap3A, %swap3A_6], %dot_general3A_5 {strides = array<i32>} : memref<10000x64xf32, #tpu.memory_space<vmem>>, vector<10000x64xf32>,
    %get3A_8 = arith.constant 0 : index
    %get3A_9 = arith.constant 0 : index
    %get3A_10 = vector.load %arg2[%get3A_8, %get3A_9] : memref<64x1xf32, #tpu.memory_space<vmem>>, vector<64x1xf32>
    %dot_general3A_11 = arith.constant dense<0.000000e+00> : vector<10000x1xf32>
    %dot_general3A_12 = tpu.matmul %dot_general3A_5, %get3A_10, %dot_general3A_11 {dimension_numbers = #tpu.dot_dimension_numbers<[1], [0], [0], [1], [0, 0, 1, 1], [], []>, transpose_lhs_hint = false} : vector<10000x64xf32>, vector<64x1xf32>, vector<10000x1xf32> -> vector<10000x1xf32>
    %get3A_13 = arith.constant 0 : index
    %get3A_14 = arith.constant 0 : index
    %get3A_15 = vector.load %arg3[%get3A_13, %get3A_14] : memref<64x1xf32, #tpu.memory_space<vmem>>, vector<64x1xf32>
    %dot_general3A_16 = arith.constant dense<0.000000e+00> : vector<10000x1xf32>
    %dot_general3A_17 = tpu.matmul %dot_general3A_5, %get3A_15, %dot_general3A_16 {dimension_numbers = #tpu.dot_dimension_numbers<[1], [0], [0], [1], [0, 0, 1, 1], [], []>, transpose_lhs_hint = false} : vector<10000x64xf32>, vector<64x1xf32>, vector<10000x1xf32> -> vector<10000x1xf32>
    %swap3A_18 = arith.constant 0 : index
    %swap3A_19 = arith.constant 0 : index
    %swap3A_20 = vector.load %arg5[%swap3A_18, %swap3A_19] : memref<10000x1xf32, #tpu.memory_space<vmem>>, vector<10000x1xf32>
    tpu.vector_store %arg5[%swap3A_18, %swap3A_19], %dot_general3A_12 {strides = array<i32>} : memref<10000x1xf32, #tpu.memory_space<vmem>>, vector<10000x1xf32>,
    %swap3A_21 = arith.constant 0 : index
    %swap3A_22 = arith.constant 0 : index
    %swap3A_23 = vector.load %arg6[%swap3A_21, %swap3A_22] : memref<10000x1xf32, #tpu.memory_space<vmem>>, vector<10000x1xf32>
    tpu.vector_store %arg6[%swap3A_21, %swap3A_22], %dot_general3A_17 {strides = array<i32>} : memref<10000x1xf32, #tpu.memory_space<vmem>>, vector<10000x1xf32>,
    %reduce_max3A = vector.shape_cast %dot_general3A_12 : vector<10000x1xf32> to vector<1x10000x1xf32>
    %reduce_max3A_24 = arith.constant dense<0xFF800000> : vector<1xf32>
    %reduce_max3A_25 = vector.multi_reduction <maximumf>, %reduce_max3A, %reduce_max3A_24 [1, 2] : vector<1x10000x1xf32> to vector<1xf32>
    %reduce_max3A_26 = vector.shape_cast %reduce_max3A_25 : vector<1xf32> to vector<1x1x1xf32>
    %reduce_max3A_27 = vector.extract %reduce_max3A_26[0, 0, 0] : f32 from vector<1x1x1xf32>
    %reduce_max3A_28 = vector.shape_cast %dot_general3A_17 : vector<10000x1xf32> to vector<1x10000x1xf32>
    %reduce_max3A_29 = arith.constant dense<0xFF800000> : vector<1xf32>
    %reduce_max3A_30 = vector.multi_reduction <maximumf>, %reduce_max3A_28, %reduce_max3A_29 [1, 2] : vector<1x10000x1xf32> to vector<1xf32>
    %reduce_max3A_31 = vector.shape_cast %reduce_max3A_30 : vector<1xf32> to vector<1x1x1xf32>
    %reduce_max3A_32 = vector.extract %reduce_max3A_31[0, 0, 0] : f32 from vector<1x1x1xf32>
    %add3A = arith.addf %reduce_max3A_27, %reduce_max3A_32 : f32
    %ge3A = arith.constant 0.000000e+00 : f32
    %ge3A_33 = arith.cmpf oge, %add3A, %ge3A : f32
    %mul3A = arith.constant 2.000000e-01 : f32
    %mul3A_34 = arith.mulf %mul3A, %add3A : f32
    %select_n3A = arith.select %ge3A_33, %add3A, %mul3A_34 : f32
    %reshape3A = vector.broadcast %select_n3A : f32 to vector<1x1xf32>
    %swap3A_35 = arith.constant 0 : index
    %swap3A_36 = arith.constant 0 : index
    %swap3A_37 = vector.load %arg7[%swap3A_35, %swap3A_36] : memref<1x1xf32, #tpu.memory_space<vmem>>, vector<1x1xf32>
    tpu.vector_store %arg7[%swap3A_35, %swap3A_36], %reshape3A {strides = array<i32>} : memref<1x1xf32, #tpu.memory_space<vmem>>, vector<1x1xf32>,
    return
  }
}

module attributes {stable_mosaic.version = 14 : i64} {
  func.func @_mid_body(%arg0: memref<2x10000x64xf32, #tpu.memory_space<vmem>>, %arg1: memref<32x10000xf32, #tpu.memory_space<vmem>>, %arg2: memref<64x64xf32, #tpu.memory_space<vmem>>, %arg3: memref<64x1xf32, #tpu.memory_space<vmem>>, %arg4: memref<64x1xf32, #tpu.memory_space<vmem>>, %arg5: memref<10000x64xf32, #tpu.memory_space<vmem>>, %arg6: memref<10000x1xf32, #tpu.memory_space<vmem>>, %arg7: memref<10000x1xf32, #tpu.memory_space<vmem>>, %arg8: memref<1x1xf32, #tpu.memory_space<vmem>>) attributes {dimension_semantics = [], scalar_prefetch = 0 : i64, scratch_operands = 0 : i64, tpu.core_type = #tpu.core_type<tc>} {
    %get3A = arith.constant 0 : index
    %get3A_0 = arith.constant 0 : index
    %get3A_1 = arith.constant 0 : index
    %get3A_2 = vector.load %arg0[%get3A, %get3A_0, %get3A_1] : memref<2x10000x64xf32, #tpu.memory_space<vmem>>, vector<1x10000x64xf32>
    %get3A_3 = vector.shape_cast %get3A_2 : vector<1x10000x64xf32> to vector<10000x64xf32>
    %get3A_4 = arith.constant 1 : index
    %get3A_5 = arith.constant 0 : index
    %get3A_6 = arith.constant 0 : index
    %get3A_7 = vector.load %arg0[%get3A_4, %get3A_5, %get3A_6] : memref<2x10000x64xf32, #tpu.memory_space<vmem>>, vector<1x10000x64xf32>
    %get3A_8 = vector.shape_cast %get3A_7 : vector<1x10000x64xf32> to vector<10000x64xf32>
    %add3A = arith.addf %get3A_3, %get3A_8 : vector<10000x64xf32>
    %get3A_9 = arith.constant 0 : index
    %get3A_10 = arith.constant 0 : index
    %get3A_11 = vector.load %arg1[%get3A_9, %get3A_10] : memref<32x10000xf32, #tpu.memory_space<vmem>>, vector<32x10000xf32>
    %reduce_sum3A = arith.constant dense<0.000000e+00> : vector<10000xf32>
    %reduce_sum3A_12 = vector.multi_reduction <add>, %get3A_11, %reduce_sum3A [0] : vector<32x10000xf32> to vector<10000xf32>
    %broadcast_in_dim3A = vector.shape_cast %reduce_sum3A_12 : vector<10000xf32> to vector<10000x1xf32>
    %add3A_13 = arith.constant 9.99999971E-10 : f32
    %add3A_14 = vector.broadcast %add3A_13 : f32 to vector<10000x1xf32>
    %add3A_15 = arith.addf %broadcast_in_dim3A, %add3A_14 : vector<10000x1xf32>
    %div3A = vector.broadcast %add3A_15 : vector<10000x1xf32> to vector<10000x64xf32>
    %div3A_16 = arith.divf %add3A, %div3A : vector<10000x64xf32>
    %gt3A = arith.constant 0.000000e+00 : f32
    %gt3A_17 = vector.broadcast %gt3A : f32 to vector<10000x64xf32>
    %gt3A_18 = arith.cmpf ogt, %div3A_16, %gt3A_17 : vector<10000x64xf32>
    %exp3A = math.exp %div3A_16 : vector<10000x64xf32>
    %sub3A = arith.constant 1.000000e+00 : f32
    %sub3A_19 = vector.broadcast %sub3A : f32 to vector<10000x64xf32>
    %sub3A_20 = arith.subf %exp3A, %sub3A_19 : vector<10000x64xf32>
    %mul3A = arith.constant 1.67326319 : f32
    %mul3A_21 = vector.broadcast %mul3A : f32 to vector<10000x64xf32>
    %mul3A_22 = arith.mulf %mul3A_21, %sub3A_20 : vector<10000x64xf32>
    %select_n3A = arith.select %gt3A_18, %div3A_16, %mul3A_22 : vector<10000x64xi1>, vector<10000x64xf32>
    %mul3A_23 = arith.constant 1.05070102 : f32
    %mul3A_24 = vector.broadcast %mul3A_23 : f32 to vector<10000x64xf32>
    %mul3A_25 = arith.mulf %mul3A_24, %select_n3A : vector<10000x64xf32>
    %get3A_26 = arith.constant 0 : index
    %get3A_27 = arith.constant 0 : index
    %get3A_28 = vector.load %arg2[%get3A_26, %get3A_27] : memref<64x64xf32, #tpu.memory_space<vmem>>, vector<64x64xf32>
    %dot_general3A = arith.constant dense<0.000000e+00> : vector<10000x64xf32>
    %dot_general3A_29 = tpu.matmul %mul3A_25, %get3A_28, %dot_general3A {dimension_numbers = #tpu.dot_dimension_numbers<[1], [0], [0], [1], [0, 0, 1, 1], [], []>, transpose_lhs_hint = false} : vector<10000x64xf32>, vector<64x64xf32>, vector<10000x64xf32> -> vector<10000x64xf32>
    %swap3A = arith.constant 0 : index
    %swap3A_30 = arith.constant 0 : index
    %swap3A_31 = vector.load %arg5[%swap3A, %swap3A_30] : memref<10000x64xf32, #tpu.memory_space<vmem>>, vector<10000x64xf32>
    tpu.vector_store %arg5[%swap3A, %swap3A_30], %dot_general3A_29 {strides = array<i32>} : memref<10000x64xf32, #tpu.memory_space<vmem>>, vector<10000x64xf32>,
    %get3A_32 = arith.constant 0 : index
    %get3A_33 = arith.constant 0 : index
    %get3A_34 = vector.load %arg3[%get3A_32, %get3A_33] : memref<64x1xf32, #tpu.memory_space<vmem>>, vector<64x1xf32>
    %dot_general3A_35 = arith.constant dense<0.000000e+00> : vector<10000x1xf32>
    %dot_general3A_36 = tpu.matmul %dot_general3A_29, %get3A_34, %dot_general3A_35 {dimension_numbers = #tpu.dot_dimension_numbers<[1], [0], [0], [1], [0, 0, 1, 1], [], []>, transpose_lhs_hint = false} : vector<10000x64xf32>, vector<64x1xf32>, vector<10000x1xf32> -> vector<10000x1xf32>
    %get3A_37 = arith.constant 0 : index
    %get3A_38 = arith.constant 0 : index
    %get3A_39 = vector.load %arg4[%get3A_37, %get3A_38] : memref<64x1xf32, #tpu.memory_space<vmem>>, vector<64x1xf32>
    %dot_general3A_40 = arith.constant dense<0.000000e+00> : vector<10000x1xf32>
    %dot_general3A_41 = tpu.matmul %dot_general3A_29, %get3A_39, %dot_general3A_40 {dimension_numbers = #tpu.dot_dimension_numbers<[1], [0], [0], [1], [0, 0, 1, 1], [], []>, transpose_lhs_hint = false} : vector<10000x64xf32>, vector<64x1xf32>, vector<10000x1xf32> -> vector<10000x1xf32>
    %swap3A_42 = arith.constant 0 : index
    %swap3A_43 = arith.constant 0 : index
    %swap3A_44 = vector.load %arg6[%swap3A_42, %swap3A_43] : memref<10000x1xf32, #tpu.memory_space<vmem>>, vector<10000x1xf32>
    tpu.vector_store %arg6[%swap3A_42, %swap3A_43], %dot_general3A_36 {strides = array<i32>} : memref<10000x1xf32, #tpu.memory_space<vmem>>, vector<10000x1xf32>,
    %swap3A_45 = arith.constant 0 : index
    %swap3A_46 = arith.constant 0 : index
    %swap3A_47 = vector.load %arg7[%swap3A_45, %swap3A_46] : memref<10000x1xf32, #tpu.memory_space<vmem>>, vector<10000x1xf32>
    tpu.vector_store %arg7[%swap3A_45, %swap3A_46], %dot_general3A_41 {strides = array<i32>} : memref<10000x1xf32, #tpu.memory_space<vmem>>, vector<10000x1xf32>,
    %reduce_max3A = vector.shape_cast %dot_general3A_36 : vector<10000x1xf32> to vector<1x10000x1xf32>
    %reduce_max3A_48 = arith.constant dense<0xFF800000> : vector<1xf32>
    %reduce_max3A_49 = vector.multi_reduction <maximumf>, %reduce_max3A, %reduce_max3A_48 [1, 2] : vector<1x10000x1xf32> to vector<1xf32>
    %reduce_max3A_50 = vector.shape_cast %reduce_max3A_49 : vector<1xf32> to vector<1x1x1xf32>
    %reduce_max3A_51 = vector.extract %reduce_max3A_50[0, 0, 0] : f32 from vector<1x1x1xf32>
    %reduce_max3A_52 = vector.shape_cast %dot_general3A_41 : vector<10000x1xf32> to vector<1x10000x1xf32>
    %reduce_max3A_53 = arith.constant dense<0xFF800000> : vector<1xf32>
    %reduce_max3A_54 = vector.multi_reduction <maximumf>, %reduce_max3A_52, %reduce_max3A_53 [1, 2] : vector<1x10000x1xf32> to vector<1xf32>
    %reduce_max3A_55 = vector.shape_cast %reduce_max3A_54 : vector<1xf32> to vector<1x1x1xf32>
    %reduce_max3A_56 = vector.extract %reduce_max3A_55[0, 0, 0] : f32 from vector<1x1x1xf32>
    %add3A_57 = arith.addf %reduce_max3A_51, %reduce_max3A_56 : f32
    %ge3A = arith.constant 0.000000e+00 : f32
    %ge3A_58 = arith.cmpf oge, %add3A_57, %ge3A : f32
    %mul3A_59 = arith.constant 2.000000e-01 : f32
    %mul3A_60 = arith.mulf %mul3A_59, %add3A_57 : f32
    %select_n3A_61 = arith.select %ge3A_58, %add3A_57, %mul3A_60 : f32
    %reshape3A = vector.broadcast %select_n3A_61 : f32 to vector<1x1xf32>
    %swap3A_62 = arith.constant 0 : index
    %swap3A_63 = arith.constant 0 : index
    %swap3A_64 = vector.load %arg8[%swap3A_62, %swap3A_63] : memref<1x1xf32, #tpu.memory_space<vmem>>, vector<1x1xf32>
    tpu.vector_store %arg8[%swap3A_62, %swap3A_63], %reshape3A {strides = array<i32>} : memref<1x1xf32, #tpu.memory_space<vmem>>, vector<1x1xf32>,
    return
  }
}

module attributes {stable_mosaic.version = 14 : i64} {
  func.func @_head_body(%arg0: memref<2x10000x64xf32, #tpu.memory_space<vmem>>, %arg1: memref<32x10000xf32, #tpu.memory_space<vmem>>, %arg2: memref<64x1xf32, #tpu.memory_space<vmem>>, %arg3: memref<1x1xf32, #tpu.memory_space<vmem>>, %arg4: memref<64x32xf32, #tpu.memory_space<vmem>>, %arg5: memref<1x32xf32, #tpu.memory_space<vmem>>, %arg6: memref<32x1xf32, #tpu.memory_space<vmem>>, %arg7: memref<1x1xf32, #tpu.memory_space<vmem>>, %arg8: memref<1x1xf32, #tpu.memory_space<vmem>>) attributes {dimension_semantics = [], scalar_prefetch = 0 : i64, scratch_operands = 0 : i64, tpu.core_type = #tpu.core_type<tc>} {
    %get3A = arith.constant 0 : index
    %get3A_0 = arith.constant 0 : index
    %get3A_1 = arith.constant 0 : index
    %get3A_2 = vector.load %arg0[%get3A, %get3A_0, %get3A_1] : memref<2x10000x64xf32, #tpu.memory_space<vmem>>, vector<1x10000x64xf32>
    %get3A_3 = vector.shape_cast %get3A_2 : vector<1x10000x64xf32> to vector<10000x64xf32>
    %get3A_4 = arith.constant 1 : index
    %get3A_5 = arith.constant 0 : index
    %get3A_6 = arith.constant 0 : index
    %get3A_7 = vector.load %arg0[%get3A_4, %get3A_5, %get3A_6] : memref<2x10000x64xf32, #tpu.memory_space<vmem>>, vector<1x10000x64xf32>
    %get3A_8 = vector.shape_cast %get3A_7 : vector<1x10000x64xf32> to vector<10000x64xf32>
    %add3A = arith.addf %get3A_3, %get3A_8 : vector<10000x64xf32>
    %get3A_9 = arith.constant 0 : index
    %get3A_10 = arith.constant 0 : index
    %get3A_11 = vector.load %arg1[%get3A_9, %get3A_10] : memref<32x10000xf32, #tpu.memory_space<vmem>>, vector<32x10000xf32>
    %reduce_sum3A = arith.constant dense<0.000000e+00> : vector<10000xf32>
    %reduce_sum3A_12 = vector.multi_reduction <add>, %get3A_11, %reduce_sum3A [0] : vector<32x10000xf32> to vector<10000xf32>
    %broadcast_in_dim3A = vector.shape_cast %reduce_sum3A_12 : vector<10000xf32> to vector<10000x1xf32>
    %add3A_13 = arith.constant 9.99999971E-10 : f32
    %add3A_14 = vector.broadcast %add3A_13 : f32 to vector<10000x1xf32>
    %add3A_15 = arith.addf %broadcast_in_dim3A, %add3A_14 : vector<10000x1xf32>
    %div3A = vector.broadcast %add3A_15 : vector<10000x1xf32> to vector<10000x64xf32>
    %div3A_16 = arith.divf %add3A, %div3A : vector<10000x64xf32>
    %gt3A = arith.constant 0.000000e+00 : f32
    %gt3A_17 = vector.broadcast %gt3A : f32 to vector<10000x64xf32>
    %gt3A_18 = arith.cmpf ogt, %div3A_16, %gt3A_17 : vector<10000x64xf32>
    %exp3A = math.exp %div3A_16 : vector<10000x64xf32>
    %sub3A = arith.constant 1.000000e+00 : f32
    %sub3A_19 = vector.broadcast %sub3A : f32 to vector<10000x64xf32>
    %sub3A_20 = arith.subf %exp3A, %sub3A_19 : vector<10000x64xf32>
    %mul3A = arith.constant 1.67326319 : f32
    %mul3A_21 = vector.broadcast %mul3A : f32 to vector<10000x64xf32>
    %mul3A_22 = arith.mulf %mul3A_21, %sub3A_20 : vector<10000x64xf32>
    %select_n3A = arith.select %gt3A_18, %div3A_16, %mul3A_22 : vector<10000x64xi1>, vector<10000x64xf32>
    %mul3A_23 = arith.constant 1.05070102 : f32
    %mul3A_24 = vector.broadcast %mul3A_23 : f32 to vector<10000x64xf32>
    %mul3A_25 = arith.mulf %mul3A_24, %select_n3A : vector<10000x64xf32>
    %get3A_26 = arith.constant 0 : index
    %get3A_27 = arith.constant 0 : index
    %get3A_28 = vector.load %arg2[%get3A_26, %get3A_27] : memref<64x1xf32, #tpu.memory_space<vmem>>, vector<64x1xf32>
    %dot_general3A = arith.constant dense<0.000000e+00> : vector<10000x1xf32>
    %dot_general3A_29 = tpu.matmul %mul3A_25, %get3A_28, %dot_general3A {dimension_numbers = #tpu.dot_dimension_numbers<[1], [0], [0], [1], [0, 0, 1, 1], [], []>, transpose_lhs_hint = false} : vector<10000x64xf32>, vector<64x1xf32>, vector<10000x1xf32> -> vector<10000x1xf32>
    %get3A_30 = arith.constant 0 : index
    %get3A_31 = arith.constant 0 : index
    %get3A_32 = vector.load %arg3[%get3A_30, %get3A_31] : memref<1x1xf32, #tpu.memory_space<vmem>>, vector<1x1xf32>
    %get3A_33 = vector.extract %get3A_32[0, 0] : f32 from vector<1x1xf32>
    %add3A_34 = vector.broadcast %get3A_33 : f32 to vector<10000x1xf32>
    %add3A_35 = arith.addf %dot_general3A_29, %add3A_34 : vector<10000x1xf32>
    %reduce_max3A = vector.shape_cast %add3A_35 : vector<10000x1xf32> to vector<1x10000x1xf32>
    %reduce_max3A_36 = arith.constant dense<0xFF800000> : vector<1xf32>
    %reduce_max3A_37 = vector.multi_reduction <maximumf>, %reduce_max3A, %reduce_max3A_36 [1, 2] : vector<1x10000x1xf32> to vector<1xf32>
    %reduce_max3A_38 = vector.shape_cast %reduce_max3A_37 : vector<1xf32> to vector<1x1x1xf32>
    %reduce_max3A_39 = vector.extract %reduce_max3A_38[0, 0, 0] : f32 from vector<1x1x1xf32>
    %sub3A_40 = vector.broadcast %reduce_max3A_39 : f32 to vector<10000x1xf32>
    %sub3A_41 = arith.subf %add3A_35, %sub3A_40 : vector<10000x1xf32>
    %exp3A_42 = math.exp %sub3A_41 : vector<10000x1xf32>
    %reduce_sum3A_43 = vector.shape_cast %exp3A_42 : vector<10000x1xf32> to vector<1x10000x1xf32>
    %reduce_sum3A_44 = arith.constant dense<0.000000e+00> : vector<1xf32>
    %reduce_sum3A_45 = vector.multi_reduction <add>, %reduce_sum3A_43, %reduce_sum3A_44 [1, 2] : vector<1x10000x1xf32> to vector<1xf32>
    %reduce_sum3A_46 = vector.shape_cast %reduce_sum3A_45 : vector<1xf32> to vector<1x1x1xf32>
    %reduce_sum3A_47 = vector.extract %reduce_sum3A_46[0, 0, 0] : f32 from vector<1x1x1xf32>
    %div3A_48 = vector.broadcast %reduce_sum3A_47 : f32 to vector<10000x1xf32>
    %div3A_49 = arith.divf %exp3A_42, %div3A_48 : vector<10000x1xf32>
    %mul3A_50 = vector.broadcast %div3A_49 : vector<10000x1xf32> to vector<10000x64xf32>
    %mul3A_51 = arith.mulf %mul3A_50, %mul3A_25 : vector<10000x64xf32>
    %reduce_sum3A_52 = arith.constant dense<0.000000e+00> : vector<64xf32>
    %reduce_sum3A_53 = vector.multi_reduction <add>, %mul3A_51, %reduce_sum3A_52 [0] : vector<10000x64xf32> to vector<64xf32>
    %broadcast_in_dim3A_54 = vector.shape_cast %reduce_sum3A_53 : vector<64xf32> to vector<1x64xf32>
    %get3A_55 = arith.constant 0 : index
    %get3A_56 = arith.constant 0 : index
    %get3A_57 = vector.load %arg4[%get3A_55, %get3A_56] : memref<64x32xf32, #tpu.memory_space<vmem>>, vector<64x32xf32>
    %dot_general3A_58 = arith.constant dense<0.000000e+00> : vector<1x32xf32>
    %dot_general3A_59 = tpu.matmul %broadcast_in_dim3A_54, %get3A_57, %dot_general3A_58 {dimension_numbers = #tpu.dot_dimension_numbers<[1], [0], [0], [1], [0, 0, 1, 1], [], []>, transpose_lhs_hint = false} : vector<1x64xf32>, vector<64x32xf32>, vector<1x32xf32> -> vector<1x32xf32>
    %get3A_60 = arith.constant 0 : index
    %get3A_61 = arith.constant 0 : index
    %get3A_62 = vector.load %arg5[%get3A_60, %get3A_61] : memref<1x32xf32, #tpu.memory_space<vmem>>, vector<1x32xf32>
    %add3A_63 = arith.addf %dot_general3A_59, %get3A_62 : vector<1x32xf32>
    %gt3A_64 = arith.constant 0.000000e+00 : f32
    %gt3A_65 = vector.broadcast %gt3A_64 : f32 to vector<1x32xf32>
    %gt3A_66 = arith.cmpf ogt, %add3A_63, %gt3A_65 : vector<1x32xf32>
    %exp3A_67 = math.exp %add3A_63 : vector<1x32xf32>
    %sub3A_68 = arith.constant 1.000000e+00 : f32
    %sub3A_69 = vector.broadcast %sub3A_68 : f32 to vector<1x32xf32>
    %sub3A_70 = arith.subf %exp3A_67, %sub3A_69 : vector<1x32xf32>
    %mul3A_71 = arith.constant 1.67326319 : f32
    %mul3A_72 = vector.broadcast %mul3A_71 : f32 to vector<1x32xf32>
    %mul3A_73 = arith.mulf %mul3A_72, %sub3A_70 : vector<1x32xf32>
    %select_n3A_74 = arith.select %gt3A_66, %add3A_63, %mul3A_73 : vector<1x32xi1>, vector<1x32xf32>
    %mul3A_75 = arith.constant 1.05070102 : f32
    %mul3A_76 = vector.broadcast %mul3A_75 : f32 to vector<1x32xf32>
    %mul3A_77 = arith.mulf %mul3A_76, %select_n3A_74 : vector<1x32xf32>
    %get3A_78 = arith.constant 0 : index
    %get3A_79 = arith.constant 0 : index
    %get3A_80 = vector.load %arg6[%get3A_78, %get3A_79] : memref<32x1xf32, #tpu.memory_space<vmem>>, vector<32x1xf32>
    %dot_general3A_81 = arith.constant dense<0.000000e+00> : vector<1x1xf32>
    %dot_general3A_82 = tpu.matmul %mul3A_77, %get3A_80, %dot_general3A_81 {dimension_numbers = #tpu.dot_dimension_numbers<[1], [0], [0], [1], [0, 0, 1, 1], [], []>, transpose_lhs_hint = false} : vector<1x32xf32>, vector<32x1xf32>, vector<1x1xf32> -> vector<1x1xf32>
    %get3A_83 = arith.constant 0 : index
    %get3A_84 = arith.constant 0 : index
    %get3A_85 = vector.load %arg7[%get3A_83, %get3A_84] : memref<1x1xf32, #tpu.memory_space<vmem>>, vector<1x1xf32>
    %add3A_86 = arith.addf %dot_general3A_82, %get3A_85 : vector<1x1xf32>
    %neg3A = arith.constant 0.000000e+00 : f32
    %neg3A_87 = vector.broadcast %neg3A : f32 to vector<1x1xf32>
    %neg3A_88 = arith.subf %neg3A_87, %add3A_86 : vector<1x1xf32>
    %exp3A_89 = math.exp %neg3A_88 : vector<1x1xf32>
    %add3A_90 = arith.constant 1.000000e+00 : f32
    %add3A_91 = vector.broadcast %add3A_90 : f32 to vector<1x1xf32>
    %add3A_92 = arith.addf %add3A_91, %exp3A_89 : vector<1x1xf32>
    %div3A_93 = arith.constant 1.000000e+00 : f32
    %div3A_94 = vector.broadcast %div3A_93 : f32 to vector<1x1xf32>
    %div3A_95 = arith.divf %div3A_94, %add3A_92 : vector<1x1xf32>
    %swap3A = arith.constant 0 : index
    %swap3A_96 = arith.constant 0 : index
    %swap3A_97 = vector.load %arg8[%swap3A, %swap3A_96] : memref<1x1xf32, #tpu.memory_space<vmem>>, vector<1x1xf32>
    tpu.vector_store %arg8[%swap3A, %swap3A_96], %div3A_95 {strides = array<i32>} : memref<1x1xf32, #tpu.memory_space<vmem>>, vector<1x1xf32>,
    return
  }
}

</mosaic_0001>

<sc_bundles>
// kernel: kernel.10.cloned.1.call-start
scs
__scs_entry_jumppad:
0x0: {  	(pc) =	sbr.rel $0x88, $3  }
0x1: {  	(tag) =	ssettag $0x0;
	lr =	simm.s32 $0x1  }
0x2: {  	[smem:$0x3F93] =	sst lr;
	_ =	strace $0xD0000000  }
0x3: {  	_ = 	snop  }
0x4: {  	_ = 	snop  }
0x5: {  	_ = 	snop  }
0x6: {  	_ = 	snop  }
0x7: {  	_ = 	snop  }
__scs_overlays_trampoline_lowered:
0x8: {  	[smem:$0x3FA2] =	sst s0  }
0x9: {  	[smem:$0x3FA3] =	sst s1  }
0xa: {  	[smem:$0x3FA4] =	sst s2  }
0xb: {  	[smem:$0x3FA5] =	sst s3  }
0xc: {  	[smem:$0x3FA6] =	sst s4  }
0xd: {  	[smem:$0x3FA7] =	sst s5  }
0xe: {  	[smem:$0x3FA8] =	sst s6  }
0xf: {  	[smem:$0x3FA9] =	sst s7  }
0x10: {  	[smem:$0x3FAA] =	sst s8  }
0x11: {  	[smem:$0x3FAB] =	sst s9;
	s0 =	simm.s32 @!p0 $0x0  }
0x12: {  	s1 =	sld [smem:$0x3F91];
	s0 =	simm.s32 @p0 $0x1  }
0x13: {  	[smem:$0x3FAC] =	sst s0;
	s0 =	simm.s32 @!p1 $0x0  }
0x14: {  	s2 =	sld [smem:$0x3F90];
	s0 =	simm.s32 @p1 $0x1  }
0x15: {  	[smem:$0x3FAD] =	sst s0;
	s0 =	simm.s32 @!p2 $0x0  }
0x16: {  	s3 =	sld [smem:$0x3FDB];
	s0 =	simm.s32 @p2 $0x1  }
0x17: {  	s4 =	simm.s32 $0x1BF5;
	[smem:$0x3FAF] =	sst s0  }
0x18: {  	s0 =	sld [smem:$0x3F92];
	_ =	swait.ge [sflag:s4], $0x0  }
0x19: {  	s7 =	sld [smem:$0x3F93]  }
0x1a: {  	s8 =	sadd.s32 $0xFFFFE003, lr  }
0x1b: {  	s9 =	sadd.s32 $0xFFFFFEF7, lr;
	s5 =	simm.s32 $0xFFFFFFFF;
	p2 =	slt.u32 s8, $0xFFFFF086  }
0x1c: {  	p1 =	slt.u32 s9, $0xF7A;
	s5 =	simm.s32 @!p2 $0x0  }
0x1d: {  	s5 =	simm.s32 @p1 $0x1;
	p0 =	seq.s32 s7, s2  }
0x1e: {  	s7 =	smul.u32 @!p0 $0xF7A, s2;
	p2 =	seq.s32 @!p0 s5, $0x0  }
0x1f: {  	s9 =	smul.u32 $0xF7A, s1;
	s8 =	simm.s32 @!p0 $0x1BF5;
	p2 =	por !p2, p0  }
0x20: {  	[sflag:s8] =	ssyncset.s32 @!p0 $0xFFFFF086;
	s6 =	sadd.s32 @!p0 s3, s7;
	s7 =	simm.s32 @!p0 $0x108  }
0x21: {  	s3 =	sadd.s32 s3, s9;
	s6 =	sadd.s32 @!p0 $0x88, s6;
	s7 =	simm.s32 @p2 $0x1082  }
0x22: {  	[simem:s7], [sflag:s8] =	dma.local @!p0 [hbm:s6], $0xF7A  }
0x23: {  	s9 =	sor.u32 $0xD0000000, s2;
	s6 =	simm.s32 $0x108;
	_ =	swait.ge @!p0 [sflag:s8], $0x0  }
0x24: {  	s3 =	sadd.s32 $0x88, s3;
	s6 =	simm.s32 @!p1 $0x1082;
	[sflag:s4] =	ssyncset.s32 $0xFFFFF086  }
0x25: {  	[simem:s6], [sflag:s4] =	dma.local [hbm:s3], $0xF7A  }
0x26: {  	[smem:$0x3F93] =	sst s1;
	(tag) =	ssettag s2;
	_ =	strace s9  }
0x27: {  	s1 =	sld [smem:$0x3FA3]  }
0x28: {  	s2 =	sld [smem:$0x3FA4]  }
0x29: {  	s4 =	sld [smem:$0x3FA6]  }
0x2a: {  	p0 =	seq.s32 s5, $0x0;
	s5 =	sld [smem:$0x3FA7]  }
0x2b: {  	s6 =	sld [smem:$0x3FA8]  }
0x2c: {  	s7 =	sld [smem:$0x3FA9]  }
0x2d: {  	s3 =	simm.s32 $0x108;
	s8 =	sld [smem:$0x3FAA]  }
0x2e: {  	s3 =	simm.s32 @!p0 $0x1082;
	s9 =	sld [smem:$0x3FAB]  }
0x2f: {  	lr =	sadd.s32 s0, s3;
	s0 =	sld [smem:$0x3FA2]  }
0x30: {  	s3 =	sld [smem:$0x3FA5]  }
0x31: {  	[smem:$0x3FAE] =	sst s10  }
0x32: {  	s10 =	sld [smem:$0x3FAC];
	_ =	sdelay $0x3  }
0x33: {  	p0 =	seq.s32 s10, $0x1;
	s10 =	sld [smem:$0x3FAE];
	_ =	sdelay $0x3  }
0x34: {  	[smem:$0x3FAE] =	sst s10  }
0x35: {  	s10 =	sld [smem:$0x3FAD];
	_ =	sdelay $0x3  }
0x36: {  	p1 =	seq.s32 s10, $0x1;
	s10 =	sld [smem:$0x3FAE];
	_ =	sdelay $0x3  }
0x37: {  	[smem:$0x3FAE] =	sst s10  }
0x38: {  	s10 =	sld [smem:$0x3FAF]  }
0x39: {  	_ = 	snop;
	(pc) =	sbr.ind lr, $3  }
0x3a: {  	_ = 	snop  }
0x3b: {  	_ = 	snop  }
0x3c: {  	p2 =	seq.s32 s10, $0x1;
	s10 =	sld [smem:$0x3FAE]  }
0x3d: {  	_ =	shalt  }
0x3e: {  	_ =	shalt  }
0x3f: {  	_ =	shalt  }
0x40: {  	_ =	shalt  }
0x41: {  	_ =	shalt  }
0x42: {  	_ =	shalt  }
0x43: {  	_ =	shalt  }
0x44: {  	_ =	shalt  }
0x45: {  	_ =	shalt  }
0x46: {  	_ =	shalt  }
0x47: {  	_ =	shalt  }
0x48: {  	_ =	shalt  }
0x49: {  	_ =	shalt  }
0x4a: {  	_ =	shalt  }
0x4b: {  	_ =	shalt  }
0x4c: {  	_ =	shalt  }
0x4d: {  	_ =	shalt  }
0x4e: {  	_ =	shalt  }
0x4f: {  	_ =	shalt  }
0x50: {  	_ =	shalt  }
0x51: {  	_ =	shalt  }
0x52: {  	_ =	shalt  }
0x53: {  	_ =	shalt  }
0x54: {  	_ =	shalt  }
0x55: {  	_ =	shalt  }
0x56: {  	_ =	shalt  }
0x57: {  	_ =	shalt  }
0x58: {  	_ =	shalt  }
0x59: {  	_ =	shalt  }
0x5a: {  	_ =	shalt  }
0x5b: {  	_ =	shalt  }
0x5c: {  	_ =	shalt  }
0x5d: {  	_ =	shalt  }
0x5e: {  	_ =	shalt  }
0x5f: {  	_ =	shalt  }
0x60: {  	_ =	shalt  }
0x61: {  	_ =	shalt  }
0x62: {  	_ =	shalt  }
0x63: {  	_ =	shalt  }
0x64: {  	_ =	shalt  }
0x65: {  	_ =	shalt  }
0x66: {  	_ =	shalt  }
0x67: {  	_ =	shalt  }
0x68: {  	_ =	shalt  }
0x69: {  	_ =	shalt  }
0x6a: {  	_ =	shalt  }
0x6b: {  	_ =	shalt  }
0x6c: {  	_ =	shalt  }
0x6d: {  	_ =	shalt  }
0x6e: {  	_ =	shalt  }
0x6f: {  	_ =	shalt  }
0x70: {  	_ =	shalt  }
0x71: {  	_ =	shalt  }
0x72: {  	_ =	shalt  }
0x73: {  	_ =	shalt  }
0x74: {  	_ =	shalt  }
0x75: {  	_ =	shalt  }
0x76: {  	_ =	shalt  }
0x77: {  	_ =	shalt  }
0x78: {  	_ =	shalt  }
0x79: {  	_ =	shalt  }
0x7a: {  	_ =	shalt  }
0x7b: {  	_ =	shalt  }
0x7c: {  	_ =	shalt  }
0x7d: {  	_ =	shalt  }
0x7e: {  	_ =	shalt  }
0x7f: {  	_ =	shalt  }
0x80: {  	_ =	shalt  }
0x81: {  	_ =	shalt  }
0x82: {  	_ =	shalt  }
0x83: {  	_ =	shalt  }
0x84: {  	_ =	shalt  }
0x85: {  	_ =	shalt  }
0x86: {  	_ =	shalt  }
0x87: {  	_ =	shalt  }
.Lfunc_end0:
.L_simem_size_0:
called_computation.1_lowered:
.L_overlay_start_0:
0x88: {  	s2 =	sld [smem:$0x3FD9]  }
0x89: {  	s3 =	sld [smem:$0x3FFE];
	_ =	sdelay $0x1  }
0x8a: {  	s1 =	srdreg.scid  }
0x8b: {  	s0 =	sand.u32 $0x1, s1  }
0x8c: {  	s16 =	sshll.u32 s0, $0xA;
	s2 =	sadd.s32 s3, s2  }
0x8d: {  	s2 =	sadd.s32 s2, s16  }
0x8e: {  	[smem:$0x3FBA] =	sst s2  }
0x8f: {  	_ = 	snop  }
0x90: {  	(tm) =	ssettm $0x1  }
0x91: {  	s17 =	sld [smem:$0x3FFB];
	_ =	sdelay $0x3  }
0x92: {  	_ =	strace s17  }
0x93: {  	s2 =	sld [smem:$0x3FFC];
	_ =	sdelay $0x3  }
0x94: {  	_ =	strace s2  }
0x95: {  	s2 =	sld [smem:$0x3FFD];
	_ =	sdelay $0x3  }
0x96: {  	_ =	strace s2  }
0x97: {  	_ =	strace $0x8FFFFFFF  }
0x98: {  	s18 =	sld [smem:$0x3FDB];
	_ =	sdelay $0x1  }
0x99: {  	s19 =	simm.s32 $_scs_section_size  }
0x9a: {  	s4 =	simm.s32 $_size__tile_overlayer_lowered;
	s5 =	simm.s32 $_tile_overlayer_lowered  }
0x9b: {  	s22 =	simm.s32 $0x1BFF;
	s21 =	sshll.u32 s5, $0x1;
	s2 =	sadd.s32 s19, s18  }
0x9c: {  	s6 =	simm.s32 $0x0;
	s20 =	sshll.u32 s4, $0x1;
	s4 =	sadd.s32 s21, s2  }
0x9d: {  	[timem:s6], [sflag:s22] =	dma.local [hbm:s4], s20  }
0x9e: {  	_ =	swait.ge [sflag:s22], s20  }
0x9f: {  	s3 =	ssub.s32 $0x0, s20;
	[sflag:s22] =	ssyncset.done $0x0  }
0xa0: {  	[sflag:s22] =	ssyncadd.s32 s3;
	_ =	sdelay $0x1  }
0xa1: {  	s23 =	simm.s32 $0x1B8B  }
0xa2: {  	_ =	swait.ge [sflag:s23], $0x1  }
0xa3: {  	[sflag:s23] =	ssyncset.done $0x0  }
0xa4: {  	s25 =	simm.s32 $0x1B8E;
	s24 =	sld [smem:$0x3FFE];
	[sflag:s23] =	ssyncadd.s32 $0xFFFFFFFF  }
0xa5: {  	s26 =	simm.s32 $execute0_lowered;
	[smem:$0x3FD2] =	sst s25  }
0xa6: {  	s4 =	sshll.u32 s26, $0x1;
	_ =	strace $0x80000049;
	[dreg:$0x1] =	wrdreg $0xFFFFFFFF  }
0xa7: {  	s28 =	simm.s32 $_size_execute0_lowered;
	s2 =	sadd.s32 s2, s4;
	[dreg:$0x0] =	wrdreg $0x0  }
0xa8: {  	s4 =	sshll.u32 s28, $0x1;
	[dreg:$0x2] =	wrdreg s2  }
0xa9: {  	[dreg:$0x3] =	wrdreg s4  }
0xaa: {  	[dreg:$0x4] =	wrdreg $0xC0  }
0xab: {  	_ =	task [dreg:s6], $0x5FFFF  }
0xac: {  	[dreg:$0x1] =	wrdreg $0xFFFFFFFF  }
0xad: {  	[dreg:$0x0] =	wrdreg $0x60  }
0xae: {  	[dreg:$0x2] =	wrdreg s24  }
0xaf: {  	[dreg:$0x3] =	wrdreg $0xEBB00  }
0xb0: {  	[dreg:$0x4] =	wrdreg $0x9  }
0xb1: {  	_ =	task.clear_ibuf [dreg:s6], $0x5FFFF;
	_ =	strace $0x90000049  }
0xb2: {  	s29 =	simm.s32 $0x9;
	_ =	strace $0x8000004B  }
0xb3: {  	_ =	swait.ge [sflag:s29], $0x1  }
0xb4: {  	[sflag:s29] =	ssyncadd.s32 $0xFFFFFFFF  }
0xb5: {  	_ =	strace $0x9000004B  }
0xb6: {  	_ =	sfence  }
0xb7: {  	s30 =	sld [smem:$0x0];
	_ =	sdelay $0x2  }
0xb8: {  	s31 =	sshll.u32 s1, $0xD;
	s1 =	sshrl.u32 s1, $0x2  }
0xb9: {  	s3 =	sand.u32 $0x4000, s31;
	s1 =	sadd.s32 s1, s30  }
0xba: {  	s0 =	sor.u32 s3, s0;
	s1 =	sshll.u32 s1, $0x11  }
0xbb: {  	s0 =	sor.u32 s1, s0  }
0xbc: {  	s0 =	sadd.s32 $0x8F2B, s0  }
0xbd: {  	[sflag:s0] =	ssyncadd.remote.s32 $0x1  }
0xbe: {  	_ =	sfence.sel $0xFFFF  }
0xbf: {  	[dreg:$0x0] =	wrdreg $0xFFFFFFFF;
	(pc) =	sbr.abs _section_cstart, $3  }
0xc0: {  	[dreg:$0x1] =	wrdreg $0xFFFFFFFF  }
0xc1: {  	_ =	task.clear_ibuf [dreg:s6], $0x2FFFF;
	_ =	strace $0x9FFFFFFF  }
0xc2: {  	(tm) =	ssettm $0x7FFFFFFF  }
0xc3: {  	_ =	shalt  }
tec
execute0_lowered:
.L_overlay_start_1:
0x0: {  	(tag) =	ssettag $0x1  }
0x1: {  	s0 =	srdreg.scid  }
0x2: {  	s23 =	stileid.u32;
	s5 =	rddreg [dreg:$0x0];
	s0 =	sand.u32 $0x1, s0  }
0x3: {  	s1 =	simm.s32 $0x0;
	s15 =	sor.u32 $0x40, s23;
	s8 =	smul.u32 $0x9C400, s0  }
0x4: {  	s2 =	sshll.u32 s0, $0x4;
	s20 =	ssub.s32 $0x2, s0;
	s0 =	smul.u32 $0x1400, s23  }
0x5: {  	[smem:$0x7FF] =	sst s1;
	s18 =	sor.u32 $0x70, s23;
	s19 =	smul.u32 $0x1400, s15  }
0x6: {  	s7 =	sadd.s32 $0x28E00, s5;
	s29 =	smul.u32 $0x1400, s18;
	s2 =	sor.u32 s23, s2  }
0x7: {  	s11 =	sor.u32 $0x10, s23;
	s13 =	sor.u32 $0x20, s23;
	s6 =	smul.u32 $0x4E2, s2  }
0x8: {  	s14 =	sor.u32 $0x30, s23;
	s3 =	sshrl.u32 s20, $0x1;
	s2 =	smul.u32 $0x1400, s11  }
0x9: {  	s16 =	sor.u32 $0x50, s23;
	s10 =	ssub.s32 s20, s3;
	s3 =	smul.u32 $0x1400, s13  }
0xa: {  	s17 =	sor.u32 $0x60, s23;
	s21 =	sadd.s32 s8, s0;
	s20 =	smul.u32 $0x1400, s16  }
0xb: {  	s26 =	sadd.s32 s8, s19;
	s4 =	sshrl.u32 s21, $0x3;
	s21 =	smul.u32 $0x1400, s17  }
0xc: {  	s4 =	sadd.s32 s7, s4;
	s22 =	sadd.s32 s8, s2;
	s12 =	sadd.s32 s8, s3  }
0xd: {  	[dreg:$0x3] =	wrdreg s4;
	s9 =	sshrl.u32 s22, $0x3;
	s4 =	smul.u32 $0x1400, s14  }
0xe: {  	s24 =	sshrl.u32 s12, $0x3;
	s12 =	sshrl.u32 s26, $0x3;
	s9 =	sadd.s32 s7, s9  }
0xf: {  	s6 =	sadd.s32 s6, s5;
	s12 =	sadd.s32 s7, s12;
	[dreg:$0x4] =	wrdreg s9  }
0x10: {  	s9 =	sadd.s32 s7, s24;
	s25 =	sadd.s32 s8, s4;
	[dreg:$0x7] =	wrdreg s12  }
0x11: {  	s22 =	sadd.s32 s8, s20;
	[dreg:$0x5] =	wrdreg s9;
	s9 =	sshrl.u32 s25, $0x3  }
0x12: {  	s24 =	sshrl.u32 s22, $0x3;
	s22 =	sadd.s32 $0x14A00, s5;
	s9 =	sadd.s32 s7, s9  }
0x13: {  	s25 =	sadd.s32 s8, s21;
	[dreg:$0x6] =	wrdreg s9;
	s9 =	sadd.s32 s7, s24  }
0x14: {  	s8 =	sadd.s32 s8, s29;
	s26 =	sshrl.u32 s25, $0x3;
	[dreg:$0x8] =	wrdreg s9  }
0x15: {  	s8 =	sshrl.u32 s8, $0x3;
	s12 =	sadd.s32 s7, s26;
	s9 =	rddreg [dreg:$0x1]  }
0x16: {  	s25 =	sadd.s32 $0x1EE00, s6;
	s7 =	sadd.s32 s7, s8;
	[dreg:$0x9] =	wrdreg s12  }
0x17: {  	s24 =	sadd.s32 $0x14400, s5;
	s26 =	smul.u32 $0x5000, s23;
	[dreg:$0xa] =	wrdreg s7  }
0x18: {  	s7 =	smul.u32 $0x5000, s11;
	_ =	strace $0x8000004A;
	[dreg:$0xb] =	wrdreg s22  }
0x19: {  	s12 =	sadd.s32 $0xA00, s5;
	s5 =	sadd.s32 $0x28C00, s5;
	[dreg:$0xc] =	wrdreg s24  }
0x1a: {  	s11 =	sadd.s32 $0x15000, s6;
	[dreg:$0xd] =	wrdreg s5;
	s22 =	smul.u32 $0x5000, s13  }
0x1b: {  	s6 =	sadd.s32 $0x50000, s6;
	[dreg:$0xe] =	wrdreg s25;
	s24 =	smul.u32 $0x5000, s14  }
0x1c: {  	[dreg:$0xf] =	wrdreg s11;
	s5 =	sshrl.u32 s26, $0x2;
	s26 =	smul.u32 $0x5000, s15  }
0x1d: {  	s23 =	smax.u32 s10, $0x1;
	[dreg:$0x10] =	wrdreg s6;
	s11 =	smul.u32 $0x5000, s16  }
0x1e: {  	p0 =	sgt.u32 s18, $0x7C;
	[dreg:$0x11] =	wrdreg s23;
	s14 =	smul.u32 $0x5000, s17  }
0x1f: {  	s15 =	smul.u32 $0x5000, s18;
	s0 =	sadd.s32 s0, s9;
	s2 =	sadd.s32 s2, s9  }
0x20: {  	s3 =	sadd.s32 s3, s9;
	s4 =	sadd.s32 s4, s9;
	s19 =	sadd.s32 s19, s9  }
0x21: {  	s23 =	sadd.s32 s21, s9;
	s6 =	simm.s32 $0x2710;
	s5 =	sadd.s32 s5, s9  }
0x22: {  	s25 =	sshrl.u32 s7, $0x2;
	s30 =	sshrl.u32 s2, $0x3;
	s31 =	sshrl.u32 s3, $0x3  }
0x23: {  	s8 =	sshrl.u32 s4, $0x3;
	s3 =	sshrl.u32 s23, $0x3;
	[dreg:$0x12] =	wrdreg s5  }
0x24: {  	s5 =	sadd.s32 s25, s9;
	s10 =	sshrl.u32 s22, $0x2;
	s13 =	sshrl.u32 s24, $0x2  }
0x25: {  	s7 =	sshrl.u32 s26, $0x2;
	s16 =	sshrl.u32 s11, $0x2;
	s17 =	sshrl.u32 s14, $0x2  }
0x26: {  	s18 =	sshrl.u32 s15, $0x2;
	s22 =	sadd.s32 s20, s9;
	s11 =	simm.s32 $0xC3A0  }
0x27: {  	s14 =	simm.s32 $0x1;
	s15 =	simm.s32 $0xC350;
	[dreg:$0x13] =	wrdreg s5  }
0x28: {  	s5 =	sadd.s32 s10, s9;
	s24 =	sadd.s32 s7, s9;
	s25 =	sadd.s32 s16, s9  }
0x29: {  	s26 =	sadd.s32 s17, s9;
	s28 =	sadd.s32 s18, s9;
	s10 =	sadd.s32 s29, s9  }
0x2a: {  	s29 =	sshrl.u32 s0, $0x3;
	s0 =	sshrl.u32 s19, $0x3;
	s2 =	sshrl.u32 s22, $0x3  }
0x2b: {  	s7 =	simm.s32 $0xD7A0;
	s16 =	simm.s32 $0x0;
	[dreg:$0x14] =	wrdreg s5  }
0x2c: {  	s5 =	sadd.s32 s13, s9;
	s4 =	sshrl.u32 @!p0 s10, $0x3;
	s10 =	simm.s32 $0x50  }
0x2d: {  	v0 =	vimm.f32 $0.0e+00;
	s13 =	simm.s32 $0x9C40;
	[dreg:$0x15] =	wrdreg s5;
	s5 =	simm.s32 $0x2  }
.LBB2_1:
0x2e: {  	s17 =	rddreg [dreg:$0xb]  }
0x2f: {  	[tilespmem:s1], [sflag:$0x2] =	stream.linear.gather [hbm4b:s17+s1], $0x2710, $0x38;
	[tilespmem:$0x187F0] =	vst v63  }
0x30: {  	_ =	swait.ge [sflag:s5], $0x2710  }
0x31: {  	[sflag:s5] =	ssyncset.done $0x0  }
0x32: {  	s18 =	rddreg [dreg:$0xc];
	[sflag:s5] =	ssyncadd.s32 $0xFFFFD8F0  }
0x33: {  	[tilespmem:s6], [sflag:$0x2] =	stream.linear.gather [hbm4b:s18+s1], $0x2710, $0x38;
	[tilespmem:$0x187F0] =	vst v63  }
0x34: {  	_ =	swait.ge [sflag:s5], $0x2710  }
0x35: {  	[sflag:s5] =	ssyncset.done $0x0  }
0x36: {  	s18 =	simm.s32 $0xEBA0;
	s19 =	rddreg [dreg:$0xd];
	[sflag:s5] =	ssyncadd.s32 $0xFFFFD8F0  }
0x37: {  	[tilespmem:s18], [sflag:$0x2] =	stream.linear.gather [hbm4b:s19+s1], $0x10, $0x38;
	[tilespmem:$0x187F0] =	vst v63  }
0x38: {  	_ =	swait.ge [sflag:s5], $0x10  }
0x39: {  	[sflag:s5] =	ssyncset.done $0x0  }
0x3a: {  	s21 =	simm.s32 $0x4E20;
	s20 =	rddreg [dreg:$0xe];
	[sflag:s5] =	ssyncadd.s32 $0xFFFFFFF0  }
0x3b: {  	[tilespmem:s21], [sflag:$0x2] =	stream.linear.gather [hbm4b:s20+s1], $0x2710, $0x38;
	[tilespmem:$0x187F0] =	vst v63  }
0x3c: {  	_ =	swait.ge [sflag:s5], $0x2710  }
0x3d: {  	[sflag:s5] =	ssyncset.done $0x0  }
0x3e: {  	s23 =	simm.s32 $0x7530;
	s22 =	rddreg [dreg:$0xf];
	[sflag:s5] =	ssyncadd.s32 $0xFFFFD8F0  }
0x3f: {  	[tilespmem:s23], [sflag:$0x2] =	stream.linear.gather [hbm4b:s22+s1], $0x2710, $0x38;
	[tilespmem:$0x187F0] =	vst v63  }
0x40: {  	_ =	swait.ge [sflag:s5], $0x2710  }
0x41: {  	[sflag:s5] =	ssyncset.done $0x0  }
0x42: {  	s17 =	simm.s32 $0xD820;
	[sflag:s5] =	ssyncadd.s32 $0xFFFFD8F0  }
0x43: {  	[tilespmem:s17+$0xFFFFFF80] =	vst v0  }
0x44: {  	[tilespmem:s17+$0x70] =	vst v0  }
0x45: {  	[tilespmem:s17+$0x60] =	vst v0  }
0x46: {  	[tilespmem:s17+$0x50] =	vst v0  }
0x47: {  	[tilespmem:s17+$0x40] =	vst v0  }
0x48: {  	[tilespmem:s17+$0x30] =	vst v0  }
0x49: {  	[tilespmem:s17+$0x20] =	vst v0  }
0x4a: {  	[tilespmem:s17+$0x10] =	vst v0  }
0x4b: {  	[tilespmem:s17+$0x0] =	vst v0  }
0x4c: {  	[tilespmem:s17+$0xFFFFFFF0] =	vst v0  }
0x4d: {  	[tilespmem:s17+$0xFFFFFFE0] =	vst v0  }
0x4e: {  	[tilespmem:s17+$0xFFFFFFD0] =	vst v0  }
0x4f: {  	[tilespmem:s17+$0xFFFFFFC0] =	vst v0  }
0x50: {  	[tilespmem:s17+$0xFFFFFFB0] =	vst v0  }
0x51: {  	s19 =	simm.s32 $0x0;
	[tilespmem:s17+$0xFFFFFFA0] =	vst v0  }
.LBB2_2:
0x52: {  	s19 =	sadd.s32 $0x4, s19;
	[tilespmem:s17+$0xFFFFFF90] =	vst v0;
	s17 =	sadd.s32 $0x100, s17;
	s18 =	simm.s32 $0x9C60  }
0x53: {  	[tilespmem:s17+$0xFFFFFF80] =	vst v0;
	p1 =	slt.u32 s19, $0x4C  }
0x54: {  	[tilespmem:s17+$0x70] =	vst v0  }
0x55: {  	[tilespmem:s17+$0x60] =	vst v0  }
0x56: {  	[tilespmem:s17+$0x50] =	vst v0  }
0x57: {  	[tilespmem:s17+$0x40] =	vst v0  }
0x58: {  	[tilespmem:s17+$0x30] =	vst v0  }
0x59: {  	[tilespmem:s17+$0x20] =	vst v0  }
0x5a: {  	[tilespmem:s17+$0x10] =	vst v0  }
0x5b: {  	[tilespmem:s17+$0x0] =	vst v0  }
0x5c: {  	[tilespmem:s17+$0xFFFFFFF0] =	vst v0  }
.Ltmp0:
0x5d: {  	[tilespmem:s17+$0xFFFFFFE0] =	vst v0;
	(pc) =	sbr.rel @p1 .LBB2_2-.Ltmp0, $4  }
0x5e: {  	[tilespmem:s17+$0xFFFFFFD0] =	vst v0  }
0x5f: {  	[tilespmem:s17+$0xFFFFFFC0] =	vst v0  }
0x60: {  	[tilespmem:s17+$0xFFFFFFB0] =	vst v0  }
0x61: {  	[tilespmem:s17+$0xFFFFFFA0] =	vst v0  }
0x62: {  	[tilespmem:s17+$0xFFFFFF90] =	vst v0  }
0x63: {  	[tilespmem:s18+$0xFFFFFFE0] =	vst v0  }
0x64: {  	[tilespmem:s18+$0x10] =	vst v0  }
0x65: {  	s17 =	simm.s32 $0x0;
	[tilespmem:s18+$0x0] =	vst v0  }
.LBB2_4:
0x66: {  	s17 =	sadd.s32 $0x4, s17  }
0x67: {  	[tilespmem:s18+$0xFFFFFFF0] =	vst v0;
	s18 =	sadd.s32 $0x40, s18;
	p1 =	slt.u32 s17, $0x26C  }
.Ltmp1:
0x68: {  	[tilespmem:s18+$0xFFFFFFE0] =	vst v0;
	(pc) =	sbr.rel @p1 .LBB2_4-.Ltmp1, $3  }
0x69: {  	_ =	sdelay $0x1  }
0x6a: {  	[tilespmem:s18+$0x10] =	vst v0  }
0x6b: {  	[tilespmem:s18+$0x0] =	vst v0  }
0x6c: {  	[tilespmem:s18+$0xFFFFFFF0] =	vst v0  }
0x6d: {  	s17 =	rddreg [dreg:$0x12];
	[tilespmem:$0xC340] =	vst v0  }
0x6e: {  	[spmem:s17] =	stream.linear.scatter [tilespmem:s7], [sflag:$0x2], $0x1400, $0x38;
	[tilespmem:$0x187F0] =	vst v63  }
0x6f: {  	_ =	swait.ge [sflag:s5], $0x1400  }
0x70: {  	[sflag:s5] =	ssyncset.done $0x0  }
0x71: {  	s21 =	rddreg [dreg:$0x13];
	[sflag:s5] =	ssyncadd.s32 $0xFFFFEC00  }
0x72: {  	[spmem:s21] =	stream.linear.scatter [tilespmem:s7], [sflag:$0x2], $0x1400, $0x38;
	[tilespmem:$0x187F0] =	vst v63  }
0x73: {  	_ =	swait.ge [sflag:s5], $0x1400  }
0x74: {  	[sflag:s5] =	ssyncset.done $0x0  }
0x75: {  	s22 =	rddreg [dreg:$0x14];
	[sflag:s5] =	ssyncadd.s32 $0xFFFFEC00  }
0x76: {  	[spmem:s22] =	stream.linear.scatter [tilespmem:s7], [sflag:$0x2], $0x1400, $0x38;
	[tilespmem:$0x187F0] =	vst v63  }
0x77: {  	_ =	swait.ge [sflag:s5], $0x1400  }
0x78: {  	[sflag:s5] =	ssyncset.done $0x0  }
0x79: {  	s23 =	rddreg [dreg:$0x15];
	[sflag:s5] =	ssyncadd.s32 $0xFFFFEC00  }
0x7a: {  	[spmem:s23] =	stream.linear.scatter [tilespmem:s7], [sflag:$0x2], $0x1400, $0x38;
	[tilespmem:$0x187F0] =	vst v63  }
0x7b: {  	_ =	swait.ge [sflag:s5], $0x1400  }
0x7c: {  	[sflag:s5] =	ssyncset.done $0x0  }
0x7d: {  	[sflag:s5] =	ssyncadd.s32 $0xFFFFEC00  }
0x7e: {  	[spmem:s24] =	stream.linear.scatter [tilespmem:s7], [sflag:$0x2], $0x1400, $0x38;
	[tilespmem:$0x187F0] =	vst v63  }
0x7f: {  	_ =	swait.ge [sflag:s5], $0x1400  }
0x80: {  	[sflag:s5] =	ssyncset.done $0x0  }
0x81: {  	[sflag:s5] =	ssyncadd.s32 $0xFFFFEC00  }
0x82: {  	[spmem:s25] =	stream.linear.scatter [tilespmem:s7], [sflag:$0x2], $0x1400, $0x38;
	[tilespmem:$0x187F0] =	vst v63  }
0x83: {  	_ =	swait.ge [sflag:s5], $0x1400  }
0x84: {  	[sflag:s5] =	ssyncset.done $0x0  }
0x85: {  	[sflag:s5] =	ssyncadd.s32 $0xFFFFEC00  }
0x86: {  	[spmem:s26] =	stream.linear.scatter [tilespmem:s7], [sflag:$0x2], $0x1400, $0x38;
	[tilespmem:$0x187F0] =	vst v63  }
0x87: {  	_ =	swait.ge [sflag:s5], $0x1400  }
0x88: {  	[sflag:s5] =	ssyncset.done $0x0  }
0x89: {  	s17 =	simm.s32 @!p0 $0xD7A0;
	[sflag:s5] =	ssyncadd.s32 $0xFFFFEC00  }
0x8a: {  	[spmem:s28] =	stream.linear.scatter @!p0 [tilespmem:s17], [sflag:$0x2], $0x1400, $0x38;
	[tilespmem:$0x187F0] =	vst v63  }
0x8b: {  	s17 =	simm.s32 @!p0 $0x2  }
0x8c: {  	_ =	swait.ge @!p0 [sflag:s17], $0x1400  }
0x8d: {  	[sflag:s17] =	ssyncset.done @!p0 $0x0  }
0x8e: {  	[sflag:s17] =	ssyncadd.s32 @!p0 $0xFFFFEC00  }
0x8f: {  	[bflag:$0x0] =	sbarrier.arrive $0xFFFF  }
0x90: {  	s18 =	simm.s32 $0x0;
	s17 =	simm.s32 $0x0;
	v1 =	vld [tilespmem:$0xEBA0]  }
.LBB2_6:
0x91: {  	s19 =	smul.u32 $0x50, s18;
	_ =	sdelay $0x1  }
0x92: {  	s20 =	sadd.s32 $0x4E20, s19  }
0x93: {  	[tilespmem:s11], [sflag:$0x1] =	stream.indirect.gather [hbm4b:s12+s10], $0x40, s20, s10, $0xb8;
	[tilespmem:$0x187F0] =	vst v63  }
0x94: {  	v2 =	vld [tilespmem:s19+$0x4E20]  }
0x95: {  	v3 =	vld [tilespmem:s19+$0x7530];
	_ =	sdelay $0x6  }
0x96: {  	v2 =	vld.idx.msk [tilespmem:v2+s17+$0x0], $0xffff  }
0x97: {  	v4 =	vld.idx.msk [tilespmem:v3+s6+$0x0], $0xffff;
	_ =	sdelay $0x4  }
0x98: {  	v2 =	vadd.f32 v4, v2;
	_ =	sdelay $0x1  }
0x99: {  	v4 =	vmul.f32 $2.000000030e-01, v2  }
0x9a: {  	vm0 =	vge.f32 v2, $0.0e+00  }
0x9b: {  	v2 =	vsel vm0, v2, v4  }
0x9c: {  	v2 =	vsub.f32 v2, v1;
	_ =	sdelay $0x1  }
0x9d: {  	v2 =	vmul.f32 $1.442695020e+00, v2;
	_ =	sdelay $0x1  }
0x9e: {  	(erf) = vpow2.f32 v2;
	_ =	sdelay $0x8  }
0x9f: {  	v2 =	vpop (erf)  }
0xa0: {  	[tilespmem:$0xC350] =	vst v2  }
0xa1: {  	[tilespmem:v3+s13+$0x0] =	vst.idx.add.f32.msk $0xffff, v2  }
0xa2: {  	v2 =	vld [tilespmem:s19+$0x4E30]  }
0xa3: {  	v3 =	vld [tilespmem:s19+$0x7540];
	_ =	sdelay $0x6  }
0xa4: {  	v2 =	vld.idx.msk [tilespmem:v2+s17+$0x0], $0xffff  }
0xa5: {  	v4 =	vld.idx.msk [tilespmem:v3+s6+$0x0], $0xffff;
	_ =	sdelay $0x4  }
0xa6: {  	v2 =	vadd.f32 v4, v2;
	_ =	sdelay $0x1  }
0xa7: {  	v4 =	vmul.f32 $2.000000030e-01, v2  }
0xa8: {  	vm12 =	vge.f32 v2, $0.0e+00  }
0xa9: {  	v2 =	vsel vm12, v2, v4  }
0xaa: {  	v2 =	vsub.f32 v2, v1;
	_ =	sdelay $0x1  }
0xab: {  	v2 =	vmul.f32 $1.442695020e+00, v2;
	_ =	sdelay $0x1  }
0xac: {  	(erf) = vpow2.f32 v2;
	_ =	sdelay $0x8  }
0xad: {  	v2 =	vpop (erf)  }
0xae: {  	[tilespmem:$0xC360] =	vst v2  }
0xaf: {  	[tilespmem:v3+s13+$0x0] =	vst.idx.add.f32.msk $0xffff, v2  }
0xb0: {  	v2 =	vld [tilespmem:s19+$0x4E40]  }
0xb1: {  	v3 =	vld [tilespmem:s19+$0x7550];
	_ =	sdelay $0x6  }
0xb2: {  	v2 =	vld.idx.msk [tilespmem:v2+s17+$0x0], $0xffff  }
0xb3: {  	v4 =	vld.idx.msk [tilespmem:v3+s6+$0x0], $0xffff;
	_ =	sdelay $0x4  }
0xb4: {  	v2 =	vadd.f32 v4, v2;
	_ =	sdelay $0x1  }
0xb5: {  	v4 =	vmul.f32 $2.000000030e-01, v2  }
0xb6: {  	vm13 =	vge.f32 v2, $0.0e+00  }
0xb7: {  	v2 =	vsel vm13, v2, v4  }
0xb8: {  	v2 =	vsub.f32 v2, v1;
	_ =	sdelay $0x1  }
0xb9: {  	v2 =	vmul.f32 $1.442695020e+00, v2;
	_ =	sdelay $0x1  }
0xba: {  	(erf) = vpow2.f32 v2;
	_ =	sdelay $0x8  }
0xbb: {  	v2 =	vpop (erf)  }
0xbc: {  	[tilespmem:$0xC370] =	vst v2  }
0xbd: {  	[tilespmem:v3+s13+$0x0] =	vst.idx.add.f32.msk $0xffff, v2  }
0xbe: {  	v2 =	vld [tilespmem:s19+$0x4E50]  }
0xbf: {  	v3 =	vld [tilespmem:s19+$0x7560];
	_ =	sdelay $0x6  }
0xc0: {  	v2 =	vld.idx.msk [tilespmem:v2+s17+$0x0], $0xffff  }
0xc1: {  	v4 =	vld.idx.msk [tilespmem:v3+s6+$0x0], $0xffff;
	_ =	sdelay $0x4  }
0xc2: {  	v2 =	vadd.f32 v4, v2;
	_ =	sdelay $0x1  }
0xc3: {  	v4 =	vmul.f32 $2.000000030e-01, v2  }
0xc4: {  	vm14 =	vge.f32 v2, $0.0e+00  }
0xc5: {  	v2 =	vsel vm14, v2, v4  }
0xc6: {  	v2 =	vsub.f32 v2, v1;
	_ =	sdelay $0x1  }
0xc7: {  	v2 =	vmul.f32 $1.442695020e+00, v2;
	_ =	sdelay $0x1  }
0xc8: {  	(erf) = vpow2.f32 v2;
	_ =	sdelay $0x8  }
0xc9: {  	v2 =	vpop (erf)  }
0xca: {  	[tilespmem:$0xC380] =	vst v2  }
0xcb: {  	[tilespmem:v3+s13+$0x0] =	vst.idx.add.f32.msk $0xffff, v2  }
0xcc: {  	v2 =	vld [tilespmem:s19+$0x4E60]  }
0xcd: {  	v3 =	vld [tilespmem:s19+$0x7570];
	_ =	sdelay $0x6  }
0xce: {  	v2 =	vld.idx.msk [tilespmem:v2+s17+$0x0], $0xffff  }
0xcf: {  	v4 =	vld.idx.msk [tilespmem:v3+s6+$0x0], $0xffff;
	_ =	sdelay $0x4  }
0xd0: {  	v2 =	vadd.f32 v4, v2;
	_ =	sdelay $0x1  }
0xd1: {  	v4 =	vmul.f32 $2.000000030e-01, v2  }
0xd2: {  	vm15 =	vge.f32 v2, $0.0e+00  }
0xd3: {  	v2 =	vsel vm15, v2, v4  }
0xd4: {  	v2 =	vsub.f32 v2, v1;
	_ =	sdelay $0x1  }
0xd5: {  	v2 =	vmul.f32 $1.442695020e+00, v2;
	_ =	sdelay $0x1  }
0xd6: {  	(erf) = vpow2.f32 v2;
	_ =	sdelay $0x8  }
0xd7: {  	v2 =	vpop (erf)  }
0xd8: {  	[tilespmem:$0xC390] =	vst v2  }
0xd9: {  	[tilespmem:v3+s13+$0x0] =	vst.idx.add.f32.msk $0xffff, v2  }
0xda: {  	v2 =	vmov s17;
	_ =	swait.ge [sflag:s14], $0x1400  }
0xdb: {  	[sflag:s14] =	ssyncset.done $0x0  }
0xdc: {  	s20 =	simm.s32 $0xC3C0;
	[sflag:s14] =	ssyncadd.s32 $0xFFFFEC00  }
0xdd: {  	v4 =	vld [tilespmem:s20+$0xFFFFFFF0]  }
0xde: {  	v5 =	vld [tilespmem:s20+$0x10]  }
0xdf: {  	v7 =	vld.idx.msk [tilespmem:v2+s15+$0x0], $0xffff  }
0xe0: {  	v2 =	vld [tilespmem:s20+$0xFFFFFFE0]  }
0xe1: {  	v8 =	vld [tilespmem:s20+$0x0];
	_ =	sdelay $0x3  }
0xe2: {  	s22 =	simm.s32 $0x1;
	v3 =	vmul.f32 v2, v7;
	v6 =	vmul.f32 v5, v7  }
0xe3: {  	s21 =	simm.s32 $0x2;
	s19 =	sadd.s32 $0x7530, s19;
	v2 =	vmov s22;
	v5 =	vmul.f32 v4, v7;
	v4 =	vmul.f32 v8, v7;
	s22 =	simm.s32 $0xC3C0  }
.LBB2_7:
0xe4: {  	p1 =	sne.s32 s21, $0x4F  }
0xe5: {  	[tilespmem:s20+$0x10] =	vst v6;
	s22 =	sadd.s32 $0x40, s22;
	s23 =	smov.u32 s21;
	s21 =	sadd.s32 $0x1, s21  }
0xe6: {  	[tilespmem:s20+$0xFFFFFFE0] =	vst v3  }
0xe7: {  	v7 =	vld [tilespmem:s22+$0xFFFFFFF0];
	[tilespmem:s20+$0xFFFFFFF0] =	vst v5  }
0xe8: {  	v5 =	vld [tilespmem:s22+$0x10];
	[tilespmem:s20+$0x0] =	vst v4;
	s20 =	smov.u32 s22  }
0xe9: {  	v4 =	vld.idx.msk [tilespmem:v2+s15+$0x0], $0xffff  }
0xea: {  	v2 =	vld [tilespmem:s22+$0xFFFFFFE0]  }
0xeb: {  	v8 =	vld [tilespmem:s22+$0x0]  }
.Ltmp2:
0xec: {  	(pc) =	sbr.rel @p1 .LBB2_7-.Ltmp2, $3  }
0xed: {  	_ =	sdelay $0x1  }
0xee: {  	v6 =	vmul.f32 v5, v4;
	v3 =	vmul.f32 v2, v4  }
0xef: {  	v5 =	vmul.f32 v7, v4;
	v2 =	vmov s23;
	v4 =	vmul.f32 v8, v4  }
0xf0: {  	[tilespmem:s20+$0x10] =	vst v6  }
0xf1: {  	s21 =	sadd.s32 $0x40, s22;
	[tilespmem:s20+$0xFFFFFFE0] =	vst v3  }
0xf2: {  	v3 =	vld [tilespmem:s21+$0xFFFFFFF0];
	[tilespmem:s20+$0xFFFFFFF0] =	vst v5  }
0xf3: {  	v5 =	vld [tilespmem:s21+$0x10];
	[tilespmem:s20+$0x0] =	vst v4  }
0xf4: {  	v2 =	vld.idx.msk [tilespmem:v2+s15+$0x0], $0xffff  }
0xf5: {  	v4 =	vld [tilespmem:s21+$0xFFFFFFE0];
	_ =	sdelay $0x1  }
0xf6: {  	v6 =	vld [tilespmem:s21+$0x0];
	_ =	sdelay $0x1  }
0xf7: {  	v5 =	vmul.f32 v5, v2  }
0xf8: {  	v4 =	vmul.f32 v4, v2  }
0xf9: {  	v3 =	vmul.f32 v3, v2;
	[tilespmem:s21+$0x10] =	vst v5  }
0xfa: {  	s18 =	sadd.s32 $0x1, s18;
	v2 =	vmul.f32 v6, v2;
	[tilespmem:s21+$0xFFFFFFE0] =	vst v4  }
0xfb: {  	p1 =	sne.s32 s18, $0x7D;
	[tilespmem:s21+$0xFFFFFFF0] =	vst v3  }
.Ltmp3:
0xfc: {  	[tilespmem:s21+$0x0] =	vst v2;
	(pc) =	sbr.rel @p1 .LBB2_6-.Ltmp3, $4  }
0xfd: {  	[spmem:s9] =	stream.indirect.scatter.add.f32 [tilespmem:s11], [sflag:$0x2], $0x40, s19, s10, $0xb8;
	[tilespmem:$0x187F0] =	vst v63  }
0xfe: {  	_ =	swait.ge [sflag:s5], $0x1400  }
0xff: {  	[sflag:s5] =	ssyncset.done $0x0  }
0x100: {  	[sflag:s5] =	ssyncadd.s32 $0xFFFFEC00  }
0x101: {  	[bflag:$0x0] =	sbarrier.arrive $0xFFFF  }
0x102: {  	s17 =	rddreg [dreg:$0x10]  }
0x103: {  	[hbm4b:s17+s1] =	stream.linear.scatter [tilespmem:s13], [sflag:$0x2], $0x2710, $0x38;
	[tilespmem:$0x187F0] =	vst v63  }
0x104: {  	s21 =	stileid.u32;
	_ =	swait.ge [sflag:s5], $0x2710  }
0x105: {  	s17 =	sshll.u32 s21, $0x6;
	[sflag:s5] =	ssyncset.done $0x0  }
0x106: {  	s17 =	sor.u32 $0x1C02, s17;
	s18 =	rddreg [dreg:$0x3];
	[sflag:s5] =	ssyncadd.s32 $0xFFFFD8F0  }
0x107: {  	[hbm:s18], [sflag:s17] =	dma.local [spmem:s29], $0x280  }
0x108: {  	_ =	swait.ge [sflag:s5], $0x280  }
0x109: {  	[sflag:s5] =	ssyncset.done $0x0  }
0x10a: {  	s22 =	rddreg [dreg:$0x4];
	[sflag:s5] =	ssyncadd.s32 $0xFFFFFD80  }
0x10b: {  	[hbm:s22], [sflag:s17] =	dma.local [spmem:s30], $0x280  }
0x10c: {  	_ =	swait.ge [sflag:s5], $0x280  }
0x10d: {  	[sflag:s5] =	ssyncset.done $0x0  }
0x10e: {  	s23 =	rddreg [dreg:$0x5];
	[sflag:s5] =	ssyncadd.s32 $0xFFFFFD80  }
0x10f: {  	[hbm:s23], [sflag:s17] =	dma.local [spmem:s31], $0x280  }
0x110: {  	_ =	swait.ge [sflag:s5], $0x280  }
0x111: {  	[sflag:s5] =	ssyncset.done $0x0  }
0x112: {  	s19 =	rddreg [dreg:$0x6];
	[sflag:s5] =	ssyncadd.s32 $0xFFFFFD80  }
0x113: {  	[hbm:s19], [sflag:s17] =	dma.local [spmem:s8], $0x280  }
0x114: {  	_ =	swait.ge [sflag:s5], $0x280  }
0x115: {  	[sflag:s5] =	ssyncset.done $0x0  }
0x116: {  	s20 =	rddreg [dreg:$0x7];
	[sflag:s5] =	ssyncadd.s32 $0xFFFFFD80  }
0x117: {  	[hbm:s20], [sflag:s17] =	dma.local [spmem:s0], $0x280  }
0x118: {  	_ =	swait.ge [sflag:s5], $0x280  }
0x119: {  	[sflag:s5] =	ssyncset.done $0x0  }
0x11a: {  	s21 =	rddreg [dreg:$0x8];
	[sflag:s5] =	ssyncadd.s32 $0xFFFFFD80  }
0x11b: {  	[hbm:s21], [sflag:s17] =	dma.local [spmem:s2], $0x280  }
0x11c: {  	_ =	swait.ge [sflag:s5], $0x280  }
0x11d: {  	[sflag:s5] =	ssyncset.done $0x0  }
0x11e: {  	s22 =	rddreg [dreg:$0x9];
	[sflag:s5] =	ssyncadd.s32 $0xFFFFFD80  }
0x11f: {  	[hbm:s22], [sflag:s17] =	dma.local [spmem:s3], $0x280  }
0x120: {  	_ =	swait.ge [sflag:s5], $0x280  }
0x121: {  	[sflag:s5] =	ssyncset.done $0x0  }
0x122: {  	s18 =	rddreg [dreg:$0xa];
	[sflag:s5] =	ssyncadd.s32 $0xFFFFFD80  }
0x123: {  	[hbm:s18], [sflag:s17] =	dma.local @!p0 [spmem:s4], $0x280  }
0x124: {  	s17 =	simm.s32 @!p0 $0x2  }
0x125: {  	_ =	swait.ge @!p0 [sflag:s17], $0x280  }
0x126: {  	s16 =	sadd.s32 $0x1, s16;
	s23 =	rddreg [dreg:$0x11]  }
0x127: {  	p1 =	sne.s32 s16, s23  }
.Ltmp4:
0x128: {  	_ = 	snop;
	(pc) =	sbr.rel @p1 .LBB2_1-.Ltmp4, $3  }
0x129: {  	_ =	sdelay $0x1  }
0x12a: {  	[sflag:s17] =	ssyncset.done @!p0 $0x0  }
0x12b: {  	[sflag:s17] =	ssyncadd.s32 @!p0 $0xFFFFFD80  }
0x12c: {  	_ =	sfence.sel $0x180000  }
0x12d: {  	[bflag:$0x0] =	sbarrier.arrive $0xFFFF  }
0x12e: {  	_ =	strace $0x9000004A  }
0x12f: {  	s0 =	stileid.u32;
	[bflag:$0x2] =	sbarrier.arrive $0xFFFF  }
0x130: {  	p0 =	sne.s32 s0, $0x0;
	s0 =	rddreg [dreg:$0x2]  }
0x131: {  	s0 =	sadd.s32 @!p0 $0x100000, s0  }
0x132: {  	[sflag:s0] =	ssyncadd.tile.s32 @!p0 $0x1;
	_ =	shalt  }
.Lfunc_end2:
_tile_overlayer_lowered:
.L_overlay_start_2:
0x133: {  	(tag) =	ssettag $0x2  }
0x134: {  	s0 =	rddreg [dreg:$0x0];
	s2 =	stileid.u32  }
0x135: {  	s1 =	rddreg [dreg:$0x1];
	p0 =	sne.s32 s2, $0x0  }
0x136: {  	s3 =	rddreg [dreg:$0x2];
	[bflag:$0x3] =	sbarrier.arrive $0xFFFF;
	s2 =	simm.s32 @!p0 $0x1C02  }
0x137: {  	[timem:s3], [sflag:s2] =	dma.local @!p0 [hbm:s0], s1  }
0x138: {  	s0 =	simm.s32 @!p0 $0x2  }
0x139: {  	_ =	swait.ge @!p0 [sflag:s0], s1  }
0x13a: {  	s1 =	ssub.s32 @!p0 $0x0, s1;
	[sflag:s0] =	ssyncset.done @!p0 $0x0  }
0x13b: {  	[sflag:s0] =	ssyncadd.s32 @!p0 s1  }
0x13c: {  	[bflag:$0x3] =	sbarrier.arrive $0xFFFF  }
0x13d: {  	_ =	shalt  }

// kernel: kernel.7.cloned.1.call-start
scs
__scs_entry_jumppad:
0x0: {  	(pc) =	sbr.rel $0x88, $3  }
0x1: {  	(tag) =	ssettag $0x0;
	lr =	simm.s32 $0x1  }
0x2: {  	[smem:$0x3F93] =	sst lr;
	_ =	strace $0xD0000000  }
0x3: {  	_ = 	snop  }
0x4: {  	_ = 	snop  }
0x5: {  	_ = 	snop  }
0x6: {  	_ = 	snop  }
0x7: {  	_ = 	snop  }
__scs_overlays_trampoline_lowered:
0x8: {  	[smem:$0x3FA2] =	sst s0  }
0x9: {  	[smem:$0x3FA3] =	sst s1  }
0xa: {  	[smem:$0x3FA4] =	sst s2  }
0xb: {  	[smem:$0x3FA5] =	sst s3  }
0xc: {  	[smem:$0x3FA6] =	sst s4  }
0xd: {  	[smem:$0x3FA7] =	sst s5  }
0xe: {  	[smem:$0x3FA8] =	sst s6  }
0xf: {  	[smem:$0x3FA9] =	sst s7  }
0x10: {  	[smem:$0x3FAA] =	sst s8  }
0x11: {  	[smem:$0x3FAB] =	sst s9;
	s0 =	simm.s32 @!p0 $0x0  }
0x12: {  	s1 =	sld [smem:$0x3F91];
	s0 =	simm.s32 @p0 $0x1  }
0x13: {  	[smem:$0x3FAC] =	sst s0;
	s0 =	simm.s32 @!p1 $0x0  }
0x14: {  	s2 =	sld [smem:$0x3F90];
	s0 =	simm.s32 @p1 $0x1  }
0x15: {  	[smem:$0x3FAD] =	sst s0;
	s0 =	simm.s32 @!p2 $0x0  }
0x16: {  	s3 =	sld [smem:$0x3FDB];
	s0 =	simm.s32 @p2 $0x1  }
0x17: {  	s4 =	simm.s32 $0x1BF5;
	[smem:$0x3FAF] =	sst s0  }
0x18: {  	s0 =	sld [smem:$0x3F92];
	_ =	swait.ge [sflag:s4], $0x0  }
0x19: {  	s7 =	sld [smem:$0x3F93]  }
0x1a: {  	s8 =	sadd.s32 $0xFFFFE003, lr  }
0x1b: {  	s9 =	sadd.s32 $0xFFFFFEF7, lr;
	s5 =	simm.s32 $0xFFFFFFFF;
	p2 =	slt.u32 s8, $0xFFFFF086  }
0x1c: {  	p1 =	slt.u32 s9, $0xF7A;
	s5 =	simm.s32 @!p2 $0x0  }
0x1d: {  	s5 =	simm.s32 @p1 $0x1;
	p0 =	seq.s32 s7, s2  }
0x1e: {  	s7 =	smul.u32 @!p0 $0xF7A, s2;
	p2 =	seq.s32 @!p0 s5, $0x0  }
0x1f: {  	s9 =	smul.u32 $0xF7A, s1;
	s8 =	simm.s32 @!p0 $0x1BF5;
	p2 =	por !p2, p0  }
0x20: {  	[sflag:s8] =	ssyncset.s32 @!p0 $0xFFFFF086;
	s6 =	sadd.s32 @!p0 s3, s7;
	s7 =	simm.s32 @!p0 $0x108  }
0x21: {  	s3 =	sadd.s32 s3, s9;
	s6 =	sadd.s32 @!p0 $0x88, s6;
	s7 =	simm.s32 @p2 $0x1082  }
0x22: {  	[simem:s7], [sflag:s8] =	dma.local @!p0 [hbm:s6], $0xF7A  }
0x23: {  	s9 =	sor.u32 $0xD0000000, s2;
	s6 =	simm.s32 $0x108;
	_ =	swait.ge @!p0 [sflag:s8], $0x0  }
0x24: {  	s3 =	sadd.s32 $0x88, s3;
	s6 =	simm.s32 @!p1 $0x1082;
	[sflag:s4] =	ssyncset.s32 $0xFFFFF086  }
0x25: {  	[simem:s6], [sflag:s4] =	dma.local [hbm:s3], $0xF7A  }
0x26: {  	[smem:$0x3F93] =	sst s1;
	(tag) =	ssettag s2;
	_ =	strace s9  }
0x27: {  	s1 =	sld [smem:$0x3FA3]  }
0x28: {  	s2 =	sld [smem:$0x3FA4]  }
0x29: {  	s4 =	sld [smem:$0x3FA6]  }
0x2a: {  	p0 =	seq.s32 s5, $0x0;
	s5 =	sld [smem:$0x3FA7]  }
0x2b: {  	s6 =	sld [smem:$0x3FA8]  }
0x2c: {  	s7 =	sld [smem:$0x3FA9]  }
0x2d: {  	s3 =	simm.s32 $0x108;
	s8 =	sld [smem:$0x3FAA]  }
0x2e: {  	s3 =	simm.s32 @!p0 $0x1082;
	s9 =	sld [smem:$0x3FAB]  }
0x2f: {  	lr =	sadd.s32 s0, s3;
	s0 =	sld [smem:$0x3FA2]  }
0x30: {  	s3 =	sld [smem:$0x3FA5]  }
0x31: {  	[smem:$0x3FAE] =	sst s10  }
0x32: {  	s10 =	sld [smem:$0x3FAC];
	_ =	sdelay $0x3  }
0x33: {  	p0 =	seq.s32 s10, $0x1;
	s10 =	sld [smem:$0x3FAE];
	_ =	sdelay $0x3  }
0x34: {  	[smem:$0x3FAE] =	sst s10  }
0x35: {  	s10 =	sld [smem:$0x3FAD];
	_ =	sdelay $0x3  }
0x36: {  	p1 =	seq.s32 s10, $0x1;
	s10 =	sld [smem:$0x3FAE];
	_ =	sdelay $0x3  }
0x37: {  	[smem:$0x3FAE] =	sst s10  }
0x38: {  	s10 =	sld [smem:$0x3FAF]  }
0x39: {  	_ = 	snop;
	(pc) =	sbr.ind lr, $3  }
0x3a: {  	_ = 	snop  }
0x3b: {  	_ = 	snop  }
0x3c: {  	p2 =	seq.s32 s10, $0x1;
	s10 =	sld [smem:$0x3FAE]  }
0x3d: {  	_ =	shalt  }
0x3e: {  	_ =	shalt  }
0x3f: {  	_ =	shalt  }
0x40: {  	_ =	shalt  }
0x41: {  	_ =	shalt  }
0x42: {  	_ =	shalt  }
0x43: {  	_ =	shalt  }
0x44: {  	_ =	shalt  }
0x45: {  	_ =	shalt  }
0x46: {  	_ =	shalt  }
0x47: {  	_ =	shalt  }
0x48: {  	_ =	shalt  }
0x49: {  	_ =	shalt  }
0x4a: {  	_ =	shalt  }
0x4b: {  	_ =	shalt  }
0x4c: {  	_ =	shalt  }
0x4d: {  	_ =	shalt  }
0x4e: {  	_ =	shalt  }
0x4f: {  	_ =	shalt  }
0x50: {  	_ =	shalt  }
0x51: {  	_ =	shalt  }
0x52: {  	_ =	shalt  }
0x53: {  	_ =	shalt  }
0x54: {  	_ =	shalt  }
0x55: {  	_ =	shalt  }
0x56: {  	_ =	shalt  }
0x57: {  	_ =	shalt  }
0x58: {  	_ =	shalt  }
0x59: {  	_ =	shalt  }
0x5a: {  	_ =	shalt  }
0x5b: {  	_ =	shalt  }
0x5c: {  	_ =	shalt  }
0x5d: {  	_ =	shalt  }
0x5e: {  	_ =	shalt  }
0x5f: {  	_ =	shalt  }
0x60: {  	_ =	shalt  }
0x61: {  	_ =	shalt  }
0x62: {  	_ =	shalt  }
0x63: {  	_ =	shalt  }
0x64: {  	_ =	shalt  }
0x65: {  	_ =	shalt  }
0x66: {  	_ =	shalt  }
0x67: {  	_ =	shalt  }
0x68: {  	_ =	shalt  }
0x69: {  	_ =	shalt  }
0x6a: {  	_ =	shalt  }
0x6b: {  	_ =	shalt  }
0x6c: {  	_ =	shalt  }
0x6d: {  	_ =	shalt  }
0x6e: {  	_ =	shalt  }
0x6f: {  	_ =	shalt  }
0x70: {  	_ =	shalt  }
0x71: {  	_ =	shalt  }
0x72: {  	_ =	shalt  }
0x73: {  	_ =	shalt  }
0x74: {  	_ =	shalt  }
0x75: {  	_ =	shalt  }
0x76: {  	_ =	shalt  }
0x77: {  	_ =	shalt  }
0x78: {  	_ =	shalt  }
0x79: {  	_ =	shalt  }
0x7a: {  	_ =	shalt  }
0x7b: {  	_ =	shalt  }
0x7c: {  	_ =	shalt  }
0x7d: {  	_ =	shalt  }
0x7e: {  	_ =	shalt  }
0x7f: {  	_ =	shalt  }
0x80: {  	_ =	shalt  }
0x81: {  	_ =	shalt  }
0x82: {  	_ =	shalt  }
0x83: {  	_ =	shalt  }
0x84: {  	_ =	shalt  }
0x85: {  	_ =	shalt  }
0x86: {  	_ =	shalt  }
0x87: {  	_ =	shalt  }
.Lfunc_end0:
.L_simem_size_0:
called_computation_lowered:
.L_overlay_start_0:
0x88: {  	s2 =	sld [smem:$0x3FD9]  }
0x89: {  	s3 =	sld [smem:$0x3FFE];
	_ =	sdelay $0x1  }
0x8a: {  	s1 =	srdreg.scid  }
0x8b: {  	s0 =	sand.u32 $0x1, s1  }
0x8c: {  	s16 =	sshll.u32 s0, $0xA;
	s2 =	sadd.s32 s3, s2  }
0x8d: {  	s2 =	sadd.s32 s2, s16  }
0x8e: {  	[smem:$0x3FBA] =	sst s2  }
0x8f: {  	_ = 	snop  }
0x90: {  	(tm) =	ssettm $0x1  }
0x91: {  	s17 =	sld [smem:$0x3FFB];
	_ =	sdelay $0x3  }
0x92: {  	_ =	strace s17  }
0x93: {  	s2 =	sld [smem:$0x3FFC];
	_ =	sdelay $0x3  }
0x94: {  	_ =	strace s2  }
0x95: {  	s2 =	sld [smem:$0x3FFD];
	_ =	sdelay $0x3  }
0x96: {  	_ =	strace s2  }
0x97: {  	_ =	strace $0x8FFFFFFF  }
0x98: {  	s18 =	sld [smem:$0x3FDB];
	_ =	sdelay $0x1  }
0x99: {  	s19 =	simm.s32 $_scs_section_size  }
0x9a: {  	s4 =	simm.s32 $_size__tile_overlayer_lowered;
	s5 =	simm.s32 $_tile_overlayer_lowered  }
0x9b: {  	s22 =	simm.s32 $0x1BFF;
	s21 =	sshll.u32 s5, $0x1;
	s2 =	sadd.s32 s19, s18  }
0x9c: {  	s6 =	simm.s32 $0x0;
	s20 =	sshll.u32 s4, $0x1;
	s4 =	sadd.s32 s21, s2  }
0x9d: {  	[timem:s6], [sflag:s22] =	dma.local [hbm:s4], s20  }
0x9e: {  	_ =	swait.ge [sflag:s22], s20  }
0x9f: {  	s3 =	ssub.s32 $0x0, s20;
	[sflag:s22] =	ssyncset.done $0x0  }
0xa0: {  	[sflag:s22] =	ssyncadd.s32 s3;
	_ =	sdelay $0x1  }
0xa1: {  	s23 =	simm.s32 $0x1B8B  }
0xa2: {  	_ =	swait.ge [sflag:s23], $0x1  }
0xa3: {  	[sflag:s23] =	ssyncset.done $0x0  }
0xa4: {  	s25 =	simm.s32 $0x1B8E;
	s24 =	sld [smem:$0x3FFE];
	[sflag:s23] =	ssyncadd.s32 $0xFFFFFFFF  }
0xa5: {  	s26 =	simm.s32 $execute0_lowered;
	[smem:$0x3FD2] =	sst s25  }
0xa6: {  	s4 =	sshll.u32 s26, $0x1;
	_ =	strace $0x80000046;
	[dreg:$0x1] =	wrdreg $0xFFFFFFFF  }
0xa7: {  	s28 =	simm.s32 $_size_execute0_lowered;
	s2 =	sadd.s32 s2, s4;
	[dreg:$0x0] =	wrdreg $0x0  }
0xa8: {  	s4 =	sshll.u32 s28, $0x1;
	[dreg:$0x2] =	wrdreg s2  }
0xa9: {  	[dreg:$0x3] =	wrdreg s4  }
0xaa: {  	[dreg:$0x4] =	wrdreg $0xC0  }
0xab: {  	_ =	task [dreg:s6], $0x5FFFF  }
0xac: {  	[dreg:$0x1] =	wrdreg $0xFFFFFFFF  }
0xad: {  	[dreg:$0x0] =	wrdreg $0x60  }
0xae: {  	[dreg:$0x2] =	wrdreg s24  }
0xaf: {  	[dreg:$0x3] =	wrdreg $0xEBB00  }
0xb0: {  	[dreg:$0x4] =	wrdreg $0x9  }
0xb1: {  	_ =	task.clear_ibuf [dreg:s6], $0x5FFFF;
	_ =	strace $0x90000046  }
0xb2: {  	s29 =	simm.s32 $0x9;
	_ =	strace $0x80000048  }
0xb3: {  	_ =	swait.ge [sflag:s29], $0x1  }
0xb4: {  	[sflag:s29] =	ssyncadd.s32 $0xFFFFFFFF  }
0xb5: {  	_ =	strace $0x90000048  }
0xb6: {  	_ =	sfence  }
0xb7: {  	s30 =	sld [smem:$0x0];
	_ =	sdelay $0x2  }
0xb8: {  	s31 =	sshll.u32 s1, $0xD;
	s1 =	sshrl.u32 s1, $0x2  }
0xb9: {  	s3 =	sand.u32 $0x4000, s31;
	s1 =	sadd.s32 s1, s30  }
0xba: {  	s0 =	sor.u32 s3, s0;
	s1 =	sshll.u32 s1, $0x11  }
0xbb: {  	s0 =	sor.u32 s1, s0  }
0xbc: {  	s0 =	sadd.s32 $0x8F2B, s0  }
0xbd: {  	[sflag:s0] =	ssyncadd.remote.s32 $0x1  }
0xbe: {  	_ =	sfence.sel $0xFFFF  }
0xbf: {  	[dreg:$0x0] =	wrdreg $0xFFFFFFFF;
	(pc) =	sbr.abs _section_cstart, $3  }
0xc0: {  	[dreg:$0x1] =	wrdreg $0xFFFFFFFF  }
0xc1: {  	_ =	task.clear_ibuf [dreg:s6], $0x2FFFF;
	_ =	strace $0x9FFFFFFF  }
0xc2: {  	(tm) =	ssettm $0x7FFFFFFF  }
0xc3: {  	_ =	shalt  }
tec
execute0_lowered:
.L_overlay_start_1:
0x0: {  	(tag) =	ssettag $0x1  }
0x1: {  	s0 =	srdreg.scid  }
0x2: {  	s23 =	stileid.u32;
	s5 =	rddreg [dreg:$0x0];
	s0 =	sand.u32 $0x1, s0  }
0x3: {  	s1 =	simm.s32 $0x0;
	s15 =	sor.u32 $0x40, s23;
	s8 =	smul.u32 $0x9C400, s0  }
0x4: {  	s2 =	sshll.u32 s0, $0x4;
	s20 =	ssub.s32 $0x2, s0;
	s0 =	smul.u32 $0x1400, s23  }
0x5: {  	[smem:$0x7FF] =	sst s1;
	s18 =	sor.u32 $0x70, s23;
	s19 =	smul.u32 $0x1400, s15  }
0x6: {  	s7 =	sadd.s32 $0x28E00, s5;
	s29 =	smul.u32 $0x1400, s18;
	s2 =	sor.u32 s23, s2  }
0x7: {  	s11 =	sor.u32 $0x10, s23;
	s13 =	sor.u32 $0x20, s23;
	s6 =	smul.u32 $0x4E2, s2  }
0x8: {  	s14 =	sor.u32 $0x30, s23;
	s3 =	sshrl.u32 s20, $0x1;
	s2 =	smul.u32 $0x1400, s11  }
0x9: {  	s16 =	sor.u32 $0x50, s23;
	s10 =	ssub.s32 s20, s3;
	s3 =	smul.u32 $0x1400, s13  }
0xa: {  	s17 =	sor.u32 $0x60, s23;
	s21 =	sadd.s32 s8, s0;
	s20 =	smul.u32 $0x1400, s16  }
0xb: {  	s26 =	sadd.s32 s8, s19;
	s4 =	sshrl.u32 s21, $0x3;
	s21 =	smul.u32 $0x1400, s17  }
0xc: {  	s4 =	sadd.s32 s7, s4;
	s22 =	sadd.s32 s8, s2;
	s12 =	sadd.s32 s8, s3  }
0xd: {  	[dreg:$0x3] =	wrdreg s4;
	s9 =	sshrl.u32 s22, $0x3;
	s4 =	smul.u32 $0x1400, s14  }
0xe: {  	s24 =	sshrl.u32 s12, $0x3;
	s12 =	sshrl.u32 s26, $0x3;
	s9 =	sadd.s32 s7, s9  }
0xf: {  	s6 =	sadd.s32 s6, s5;
	s12 =	sadd.s32 s7, s12;
	[dreg:$0x4] =	wrdreg s9  }
0x10: {  	s9 =	sadd.s32 s7, s24;
	s25 =	sadd.s32 s8, s4;
	[dreg:$0x7] =	wrdreg s12  }
0x11: {  	s22 =	sadd.s32 s8, s20;
	[dreg:$0x5] =	wrdreg s9;
	s9 =	sshrl.u32 s25, $0x3  }
0x12: {  	s24 =	sshrl.u32 s22, $0x3;
	s22 =	sadd.s32 $0x14A00, s5;
	s9 =	sadd.s32 s7, s9  }
0x13: {  	s25 =	sadd.s32 s8, s21;
	[dreg:$0x6] =	wrdreg s9;
	s9 =	sadd.s32 s7, s24  }
0x14: {  	s8 =	sadd.s32 s8, s29;
	s26 =	sshrl.u32 s25, $0x3;
	[dreg:$0x8] =	wrdreg s9  }
0x15: {  	s8 =	sshrl.u32 s8, $0x3;
	s12 =	sadd.s32 s7, s26;
	s9 =	rddreg [dreg:$0x1]  }
0x16: {  	s25 =	sadd.s32 $0x1EE00, s6;
	s7 =	sadd.s32 s7, s8;
	[dreg:$0x9] =	wrdreg s12  }
0x17: {  	s24 =	sadd.s32 $0x14400, s5;
	s26 =	smul.u32 $0x5000, s23;
	[dreg:$0xa] =	wrdreg s7  }
0x18: {  	s7 =	smul.u32 $0x5000, s11;
	_ =	strace $0x80000047;
	[dreg:$0xb] =	wrdreg s22  }
0x19: {  	s12 =	sadd.s32 $0xA00, s5;
	s5 =	sadd.s32 $0x28C00, s5;
	[dreg:$0xc] =	wrdreg s24  }
0x1a: {  	s11 =	sadd.s32 $0x15000, s6;
	[dreg:$0xd] =	wrdreg s5;
	s22 =	smul.u32 $0x5000, s13  }
0x1b: {  	s6 =	sadd.s32 $0x50000, s6;
	[dreg:$0xe] =	wrdreg s25;
	s24 =	smul.u32 $0x5000, s14  }
0x1c: {  	[dreg:$0xf] =	wrdreg s11;
	s5 =	sshrl.u32 s26, $0x2;
	s26 =	smul.u32 $0x5000, s15  }
0x1d: {  	s23 =	smax.u32 s10, $0x1;
	[dreg:$0x10] =	wrdreg s6;
	s11 =	smul.u32 $0x5000, s16  }
0x1e: {  	p0 =	sgt.u32 s18, $0x7C;
	[dreg:$0x11] =	wrdreg s23;
	s14 =	smul.u32 $0x5000, s17  }
0x1f: {  	s15 =	smul.u32 $0x5000, s18;
	s0 =	sadd.s32 s0, s9;
	s2 =	sadd.s32 s2, s9  }
0x20: {  	s3 =	sadd.s32 s3, s9;
	s4 =	sadd.s32 s4, s9;
	s19 =	sadd.s32 s19, s9  }
0x21: {  	s23 =	sadd.s32 s21, s9;
	s6 =	simm.s32 $0x2710;
	s5 =	sadd.s32 s5, s9  }
0x22: {  	s25 =	sshrl.u32 s7, $0x2;
	s30 =	sshrl.u32 s2, $0x3;
	s31 =	sshrl.u32 s3, $0x3  }
0x23: {  	s8 =	sshrl.u32 s4, $0x3;
	s3 =	sshrl.u32 s23, $0x3;
	[dreg:$0x12] =	wrdreg s5  }
0x24: {  	s5 =	sadd.s32 s25, s9;
	s10 =	sshrl.u32 s22, $0x2;
	s13 =	sshrl.u32 s24, $0x2  }
0x25: {  	s7 =	sshrl.u32 s26, $0x2;
	s16 =	sshrl.u32 s11, $0x2;
	s17 =	sshrl.u32 s14, $0x2  }
0x26: {  	s18 =	sshrl.u32 s15, $0x2;
	s22 =	sadd.s32 s20, s9;
	s11 =	simm.s32 $0xC3A0  }
0x27: {  	s14 =	simm.s32 $0x1;
	s15 =	simm.s32 $0xC350;
	[dreg:$0x13] =	wrdreg s5  }
0x28: {  	s5 =	sadd.s32 s10, s9;
	s24 =	sadd.s32 s7, s9;
	s25 =	sadd.s32 s16, s9  }
0x29: {  	s26 =	sadd.s32 s17, s9;
	s28 =	sadd.s32 s18, s9;
	s10 =	sadd.s32 s29, s9  }
0x2a: {  	s29 =	sshrl.u32 s0, $0x3;
	s0 =	sshrl.u32 s19, $0x3;
	s2 =	sshrl.u32 s22, $0x3  }
0x2b: {  	s7 =	simm.s32 $0xD7A0;
	s16 =	simm.s32 $0x0;
	[dreg:$0x14] =	wrdreg s5  }
0x2c: {  	s5 =	sadd.s32 s13, s9;
	s4 =	sshrl.u32 @!p0 s10, $0x3;
	s10 =	simm.s32 $0x50  }
0x2d: {  	v0 =	vimm.f32 $0.0e+00;
	s13 =	simm.s32 $0x9C40;
	[dreg:$0x15] =	wrdreg s5;
	s5 =	simm.s32 $0x2  }
.LBB2_1:
0x2e: {  	s17 =	rddreg [dreg:$0xb]  }
0x2f: {  	[tilespmem:s1], [sflag:$0x2] =	stream.linear.gather [hbm4b:s17+s1], $0x2710, $0x38;
	[tilespmem:$0x187F0] =	vst v63  }
0x30: {  	_ =	swait.ge [sflag:s5], $0x2710  }
0x31: {  	[sflag:s5] =	ssyncset.done $0x0  }
0x32: {  	s18 =	rddreg [dreg:$0xc];
	[sflag:s5] =	ssyncadd.s32 $0xFFFFD8F0  }
0x33: {  	[tilespmem:s6], [sflag:$0x2] =	stream.linear.gather [hbm4b:s18+s1], $0x2710, $0x38;
	[tilespmem:$0x187F0] =	vst v63  }
0x34: {  	_ =	swait.ge [sflag:s5], $0x2710  }
0x35: {  	[sflag:s5] =	ssyncset.done $0x0  }
0x36: {  	s18 =	simm.s32 $0xEBA0;
	s19 =	rddreg [dreg:$0xd];
	[sflag:s5] =	ssyncadd.s32 $0xFFFFD8F0  }
0x37: {  	[tilespmem:s18], [sflag:$0x2] =	stream.linear.gather [hbm4b:s19+s1], $0x10, $0x38;
	[tilespmem:$0x187F0] =	vst v63  }
0x38: {  	_ =	swait.ge [sflag:s5], $0x10  }
0x39: {  	[sflag:s5] =	ssyncset.done $0x0  }
0x3a: {  	s21 =	simm.s32 $0x4E20;
	s20 =	rddreg [dreg:$0xe];
	[sflag:s5] =	ssyncadd.s32 $0xFFFFFFF0  }
0x3b: {  	[tilespmem:s21], [sflag:$0x2] =	stream.linear.gather [hbm4b:s20+s1], $0x2710, $0x38;
	[tilespmem:$0x187F0] =	vst v63  }
0x3c: {  	_ =	swait.ge [sflag:s5], $0x2710  }
0x3d: {  	[sflag:s5] =	ssyncset.done $0x0  }
0x3e: {  	s23 =	simm.s32 $0x7530;
	s22 =	rddreg [dreg:$0xf];
	[sflag:s5] =	ssyncadd.s32 $0xFFFFD8F0  }
0x3f: {  	[tilespmem:s23], [sflag:$0x2] =	stream.linear.gather [hbm4b:s22+s1], $0x2710, $0x38;
	[tilespmem:$0x187F0] =	vst v63  }
0x40: {  	_ =	swait.ge [sflag:s5], $0x2710  }
0x41: {  	[sflag:s5] =	ssyncset.done $0x0  }
0x42: {  	s17 =	simm.s32 $0xD820;
	[sflag:s5] =	ssyncadd.s32 $0xFFFFD8F0  }
0x43: {  	[tilespmem:s17+$0xFFFFFF80] =	vst v0  }
0x44: {  	[tilespmem:s17+$0x70] =	vst v0  }
0x45: {  	[tilespmem:s17+$0x60] =	vst v0  }
0x46: {  	[tilespmem:s17+$0x50] =	vst v0  }
0x47: {  	[tilespmem:s17+$0x40] =	vst v0  }
0x48: {  	[tilespmem:s17+$0x30] =	vst v0  }
0x49: {  	[tilespmem:s17+$0x20] =	vst v0  }
0x4a: {  	[tilespmem:s17+$0x10] =	vst v0  }
0x4b: {  	[tilespmem:s17+$0x0] =	vst v0  }
0x4c: {  	[tilespmem:s17+$0xFFFFFFF0] =	vst v0  }
0x4d: {  	[tilespmem:s17+$0xFFFFFFE0] =	vst v0  }
0x4e: {  	[tilespmem:s17+$0xFFFFFFD0] =	vst v0  }
0x4f: {  	[tilespmem:s17+$0xFFFFFFC0] =	vst v0  }
0x50: {  	[tilespmem:s17+$0xFFFFFFB0] =	vst v0  }
0x51: {  	s19 =	simm.s32 $0x0;
	[tilespmem:s17+$0xFFFFFFA0] =	vst v0  }
.LBB2_2:
0x52: {  	s19 =	sadd.s32 $0x4, s19;
	[tilespmem:s17+$0xFFFFFF90] =	vst v0;
	s17 =	sadd.s32 $0x100, s17;
	s18 =	simm.s32 $0x9C60  }
0x53: {  	[tilespmem:s17+$0xFFFFFF80] =	vst v0;
	p1 =	slt.u32 s19, $0x4C  }
0x54: {  	[tilespmem:s17+$0x70] =	vst v0  }
0x55: {  	[tilespmem:s17+$0x60] =	vst v0  }
0x56: {  	[tilespmem:s17+$0x50] =	vst v0  }
0x57: {  	[tilespmem:s17+$0x40] =	vst v0  }
0x58: {  	[tilespmem:s17+$0x30] =	vst v0  }
0x59: {  	[tilespmem:s17+$0x20] =	vst v0  }
0x5a: {  	[tilespmem:s17+$0x10] =	vst v0  }
0x5b: {  	[tilespmem:s17+$0x0] =	vst v0  }
0x5c: {  	[tilespmem:s17+$0xFFFFFFF0] =	vst v0  }
.Ltmp0:
0x5d: {  	[tilespmem:s17+$0xFFFFFFE0] =	vst v0;
	(pc) =	sbr.rel @p1 .LBB2_2-.Ltmp0, $4  }
0x5e: {  	[tilespmem:s17+$0xFFFFFFD0] =	vst v0  }
0x5f: {  	[tilespmem:s17+$0xFFFFFFC0] =	vst v0  }
0x60: {  	[tilespmem:s17+$0xFFFFFFB0] =	vst v0  }
0x61: {  	[tilespmem:s17+$0xFFFFFFA0] =	vst v0  }
0x62: {  	[tilespmem:s17+$0xFFFFFF90] =	vst v0  }
0x63: {  	[tilespmem:s18+$0xFFFFFFE0] =	vst v0  }
0x64: {  	[tilespmem:s18+$0x10] =	vst v0  }
0x65: {  	s17 =	simm.s32 $0x0;
	[tilespmem:s18+$0x0] =	vst v0  }
.LBB2_4:
0x66: {  	s17 =	sadd.s32 $0x4, s17  }
0x67: {  	[tilespmem:s18+$0xFFFFFFF0] =	vst v0;
	s18 =	sadd.s32 $0x40, s18;
	p1 =	slt.u32 s17, $0x26C  }
.Ltmp1:
0x68: {  	[tilespmem:s18+$0xFFFFFFE0] =	vst v0;
	(pc) =	sbr.rel @p1 .LBB2_4-.Ltmp1, $3  }
0x69: {  	_ =	sdelay $0x1  }
0x6a: {  	[tilespmem:s18+$0x10] =	vst v0  }
0x6b: {  	[tilespmem:s18+$0x0] =	vst v0  }
0x6c: {  	[tilespmem:s18+$0xFFFFFFF0] =	vst v0  }
0x6d: {  	s17 =	rddreg [dreg:$0x12];
	[tilespmem:$0xC340] =	vst v0  }
0x6e: {  	[spmem:s17] =	stream.linear.scatter [tilespmem:s7], [sflag:$0x2], $0x1400, $0x38;
	[tilespmem:$0x187F0] =	vst v63  }
0x6f: {  	_ =	swait.ge [sflag:s5], $0x1400  }
0x70: {  	[sflag:s5] =	ssyncset.done $0x0  }
0x71: {  	s21 =	rddreg [dreg:$0x13];
	[sflag:s5] =	ssyncadd.s32 $0xFFFFEC00  }
0x72: {  	[spmem:s21] =	stream.linear.scatter [tilespmem:s7], [sflag:$0x2], $0x1400, $0x38;
	[tilespmem:$0x187F0] =	vst v63  }
0x73: {  	_ =	swait.ge [sflag:s5], $0x1400  }
0x74: {  	[sflag:s5] =	ssyncset.done $0x0  }
0x75: {  	s22 =	rddreg [dreg:$0x14];
	[sflag:s5] =	ssyncadd.s32 $0xFFFFEC00  }
0x76: {  	[spmem:s22] =	stream.linear.scatter [tilespmem:s7], [sflag:$0x2], $0x1400, $0x38;
	[tilespmem:$0x187F0] =	vst v63  }
0x77: {  	_ =	swait.ge [sflag:s5], $0x1400  }
0x78: {  	[sflag:s5] =	ssyncset.done $0x0  }
0x79: {  	s23 =	rddreg [dreg:$0x15];
	[sflag:s5] =	ssyncadd.s32 $0xFFFFEC00  }
0x7a: {  	[spmem:s23] =	stream.linear.scatter [tilespmem:s7], [sflag:$0x2], $0x1400, $0x38;
	[tilespmem:$0x187F0] =	vst v63  }
0x7b: {  	_ =	swait.ge [sflag:s5], $0x1400  }
0x7c: {  	[sflag:s5] =	ssyncset.done $0x0  }
0x7d: {  	[sflag:s5] =	ssyncadd.s32 $0xFFFFEC00  }
0x7e: {  	[spmem:s24] =	stream.linear.scatter [tilespmem:s7], [sflag:$0x2], $0x1400, $0x38;
	[tilespmem:$0x187F0] =	vst v63  }
0x7f: {  	_ =	swait.ge [sflag:s5], $0x1400  }
0x80: {  	[sflag:s5] =	ssyncset.done $0x0  }
0x81: {  	[sflag:s5] =	ssyncadd.s32 $0xFFFFEC00  }
0x82: {  	[spmem:s25] =	stream.linear.scatter [tilespmem:s7], [sflag:$0x2], $0x1400, $0x38;
	[tilespmem:$0x187F0] =	vst v63  }
0x83: {  	_ =	swait.ge [sflag:s5], $0x1400  }
0x84: {  	[sflag:s5] =	ssyncset.done $0x0  }
0x85: {  	[sflag:s5] =	ssyncadd.s32 $0xFFFFEC00  }
0x86: {  	[spmem:s26] =	stream.linear.scatter [tilespmem:s7], [sflag:$0x2], $0x1400, $0x38;
	[tilespmem:$0x187F0] =	vst v63  }
0x87: {  	_ =	swait.ge [sflag:s5], $0x1400  }
0x88: {  	[sflag:s5] =	ssyncset.done $0x0  }
0x89: {  	s17 =	simm.s32 @!p0 $0xD7A0;
	[sflag:s5] =	ssyncadd.s32 $0xFFFFEC00  }
0x8a: {  	[spmem:s28] =	stream.linear.scatter @!p0 [tilespmem:s17], [sflag:$0x2], $0x1400, $0x38;
	[tilespmem:$0x187F0] =	vst v63  }
0x8b: {  	s17 =	simm.s32 @!p0 $0x2  }
0x8c: {  	_ =	swait.ge @!p0 [sflag:s17], $0x1400  }
0x8d: {  	[sflag:s17] =	ssyncset.done @!p0 $0x0  }
0x8e: {  	[sflag:s17] =	ssyncadd.s32 @!p0 $0xFFFFEC00  }
0x8f: {  	[bflag:$0x0] =	sbarrier.arrive $0xFFFF  }
0x90: {  	s18 =	simm.s32 $0x0;
	s17 =	simm.s32 $0x0;
	v1 =	vld [tilespmem:$0xEBA0]  }
.LBB2_6:
0x91: {  	s19 =	smul.u32 $0x50, s18;
	_ =	sdelay $0x1  }
0x92: {  	s20 =	sadd.s32 $0x4E20, s19  }
0x93: {  	[tilespmem:s11], [sflag:$0x1] =	stream.indirect.gather [hbm4b:s12+s10], $0x40, s20, s10, $0xb8;
	[tilespmem:$0x187F0] =	vst v63  }
0x94: {  	v2 =	vld [tilespmem:s19+$0x4E20]  }
0x95: {  	v3 =	vld [tilespmem:s19+$0x7530];
	_ =	sdelay $0x6  }
0x96: {  	v2 =	vld.idx.msk [tilespmem:v2+s17+$0x0], $0xffff  }
0x97: {  	v4 =	vld.idx.msk [tilespmem:v3+s6+$0x0], $0xffff;
	_ =	sdelay $0x4  }
0x98: {  	v2 =	vadd.f32 v4, v2;
	_ =	sdelay $0x1  }
0x99: {  	v4 =	vmul.f32 $2.000000030e-01, v2  }
0x9a: {  	vm0 =	vge.f32 v2, $0.0e+00  }
0x9b: {  	v2 =	vsel vm0, v2, v4  }
0x9c: {  	v2 =	vsub.f32 v2, v1;
	_ =	sdelay $0x1  }
0x9d: {  	v2 =	vmul.f32 $1.442695020e+00, v2;
	_ =	sdelay $0x1  }
0x9e: {  	(erf) = vpow2.f32 v2;
	_ =	sdelay $0x8  }
0x9f: {  	v2 =	vpop (erf)  }
0xa0: {  	[tilespmem:$0xC350] =	vst v2  }
0xa1: {  	[tilespmem:v3+s13+$0x0] =	vst.idx.add.f32.msk $0xffff, v2  }
0xa2: {  	v2 =	vld [tilespmem:s19+$0x4E30]  }
0xa3: {  	v3 =	vld [tilespmem:s19+$0x7540];
	_ =	sdelay $0x6  }
0xa4: {  	v2 =	vld.idx.msk [tilespmem:v2+s17+$0x0], $0xffff  }
0xa5: {  	v4 =	vld.idx.msk [tilespmem:v3+s6+$0x0], $0xffff;
	_ =	sdelay $0x4  }
0xa6: {  	v2 =	vadd.f32 v4, v2;
	_ =	sdelay $0x1  }
0xa7: {  	v4 =	vmul.f32 $2.000000030e-01, v2  }
0xa8: {  	vm12 =	vge.f32 v2, $0.0e+00  }
0xa9: {  	v2 =	vsel vm12, v2, v4  }
0xaa: {  	v2 =	vsub.f32 v2, v1;
	_ =	sdelay $0x1  }
0xab: {  	v2 =	vmul.f32 $1.442695020e+00, v2;
	_ =	sdelay $0x1  }
0xac: {  	(erf) = vpow2.f32 v2;
	_ =	sdelay $0x8  }
0xad: {  	v2 =	vpop (erf)  }
0xae: {  	[tilespmem:$0xC360] =	vst v2  }
0xaf: {  	[tilespmem:v3+s13+$0x0] =	vst.idx.add.f32.msk $0xffff, v2  }
0xb0: {  	v2 =	vld [tilespmem:s19+$0x4E40]  }
0xb1: {  	v3 =	vld [tilespmem:s19+$0x7550];
	_ =	sdelay $0x6  }
0xb2: {  	v2 =	vld.idx.msk [tilespmem:v2+s17+$0x0], $0xffff  }
0xb3: {  	v4 =	vld.idx.msk [tilespmem:v3+s6+$0x0], $0xffff;
	_ =	sdelay $0x4  }
0xb4: {  	v2 =	vadd.f32 v4, v2;
	_ =	sdelay $0x1  }
0xb5: {  	v4 =	vmul.f32 $2.000000030e-01, v2  }
0xb6: {  	vm13 =	vge.f32 v2, $0.0e+00  }
0xb7: {  	v2 =	vsel vm13, v2, v4  }
0xb8: {  	v2 =	vsub.f32 v2, v1;
	_ =	sdelay $0x1  }
0xb9: {  	v2 =	vmul.f32 $1.442695020e+00, v2;
	_ =	sdelay $0x1  }
0xba: {  	(erf) = vpow2.f32 v2;
	_ =	sdelay $0x8  }
0xbb: {  	v2 =	vpop (erf)  }
0xbc: {  	[tilespmem:$0xC370] =	vst v2  }
0xbd: {  	[tilespmem:v3+s13+$0x0] =	vst.idx.add.f32.msk $0xffff, v2  }
0xbe: {  	v2 =	vld [tilespmem:s19+$0x4E50]  }
0xbf: {  	v3 =	vld [tilespmem:s19+$0x7560];
	_ =	sdelay $0x6  }
0xc0: {  	v2 =	vld.idx.msk [tilespmem:v2+s17+$0x0], $0xffff  }
0xc1: {  	v4 =	vld.idx.msk [tilespmem:v3+s6+$0x0], $0xffff;
	_ =	sdelay $0x4  }
0xc2: {  	v2 =	vadd.f32 v4, v2;
	_ =	sdelay $0x1  }
0xc3: {  	v4 =	vmul.f32 $2.000000030e-01, v2  }
0xc4: {  	vm14 =	vge.f32 v2, $0.0e+00  }
0xc5: {  	v2 =	vsel vm14, v2, v4  }
0xc6: {  	v2 =	vsub.f32 v2, v1;
	_ =	sdelay $0x1  }
0xc7: {  	v2 =	vmul.f32 $1.442695020e+00, v2;
	_ =	sdelay $0x1  }
0xc8: {  	(erf) = vpow2.f32 v2;
	_ =	sdelay $0x8  }
0xc9: {  	v2 =	vpop (erf)  }
0xca: {  	[tilespmem:$0xC380] =	vst v2  }
0xcb: {  	[tilespmem:v3+s13+$0x0] =	vst.idx.add.f32.msk $0xffff, v2  }
0xcc: {  	v2 =	vld [tilespmem:s19+$0x4E60]  }
0xcd: {  	v3 =	vld [tilespmem:s19+$0x7570];
	_ =	sdelay $0x6  }
0xce: {  	v2 =	vld.idx.msk [tilespmem:v2+s17+$0x0], $0xffff  }
0xcf: {  	v4 =	vld.idx.msk [tilespmem:v3+s6+$0x0], $0xffff;
	_ =	sdelay $0x4  }
0xd0: {  	v2 =	vadd.f32 v4, v2;
	_ =	sdelay $0x1  }
0xd1: {  	v4 =	vmul.f32 $2.000000030e-01, v2  }
0xd2: {  	vm15 =	vge.f32 v2, $0.0e+00  }
0xd3: {  	v2 =	vsel vm15, v2, v4  }
0xd4: {  	v2 =	vsub.f32 v2, v1;
	_ =	sdelay $0x1  }
0xd5: {  	v2 =	vmul.f32 $1.442695020e+00, v2;
	_ =	sdelay $0x1  }
0xd6: {  	(erf) = vpow2.f32 v2;
	_ =	sdelay $0x8  }
0xd7: {  	v2 =	vpop (erf)  }
0xd8: {  	[tilespmem:$0xC390] =	vst v2  }
0xd9: {  	[tilespmem:v3+s13+$0x0] =	vst.idx.add.f32.msk $0xffff, v2  }
0xda: {  	v2 =	vmov s17;
	_ =	swait.ge [sflag:s14], $0x1400  }
0xdb: {  	[sflag:s14] =	ssyncset.done $0x0  }
0xdc: {  	s20 =	simm.s32 $0xC3C0;
	[sflag:s14] =	ssyncadd.s32 $0xFFFFEC00  }
0xdd: {  	v4 =	vld [tilespmem:s20+$0xFFFFFFF0]  }
0xde: {  	v5 =	vld [tilespmem:s20+$0x10]  }
0xdf: {  	v7 =	vld.idx.msk [tilespmem:v2+s15+$0x0], $0xffff  }
0xe0: {  	v2 =	vld [tilespmem:s20+$0xFFFFFFE0]  }
0xe1: {  	v8 =	vld [tilespmem:s20+$0x0];
	_ =	sdelay $0x3  }
0xe2: {  	s22 =	simm.s32 $0x1;
	v3 =	vmul.f32 v2, v7;
	v6 =	vmul.f32 v5, v7  }
0xe3: {  	s21 =	simm.s32 $0x2;
	s19 =	sadd.s32 $0x7530, s19;
	v2 =	vmov s22;
	v5 =	vmul.f32 v4, v7;
	v4 =	vmul.f32 v8, v7;
	s22 =	simm.s32 $0xC3C0  }
.LBB2_7:
0xe4: {  	p1 =	sne.s32 s21, $0x4F  }
0xe5: {  	[tilespmem:s20+$0x10] =	vst v6;
	s22 =	sadd.s32 $0x40, s22;
	s23 =	smov.u32 s21;
	s21 =	sadd.s32 $0x1, s21  }
0xe6: {  	[tilespmem:s20+$0xFFFFFFE0] =	vst v3  }
0xe7: {  	v7 =	vld [tilespmem:s22+$0xFFFFFFF0];
	[tilespmem:s20+$0xFFFFFFF0] =	vst v5  }
0xe8: {  	v5 =	vld [tilespmem:s22+$0x10];
	[tilespmem:s20+$0x0] =	vst v4;
	s20 =	smov.u32 s22  }
0xe9: {  	v4 =	vld.idx.msk [tilespmem:v2+s15+$0x0], $0xffff  }
0xea: {  	v2 =	vld [tilespmem:s22+$0xFFFFFFE0]  }
0xeb: {  	v8 =	vld [tilespmem:s22+$0x0]  }
.Ltmp2:
0xec: {  	(pc) =	sbr.rel @p1 .LBB2_7-.Ltmp2, $3  }
0xed: {  	_ =	sdelay $0x1  }
0xee: {  	v6 =	vmul.f32 v5, v4;
	v3 =	vmul.f32 v2, v4  }
0xef: {  	v5 =	vmul.f32 v7, v4;
	v2 =	vmov s23;
	v4 =	vmul.f32 v8, v4  }
0xf0: {  	[tilespmem:s20+$0x10] =	vst v6  }
0xf1: {  	s21 =	sadd.s32 $0x40, s22;
	[tilespmem:s20+$0xFFFFFFE0] =	vst v3  }
0xf2: {  	v3 =	vld [tilespmem:s21+$0xFFFFFFF0];
	[tilespmem:s20+$0xFFFFFFF0] =	vst v5  }
0xf3: {  	v5 =	vld [tilespmem:s21+$0x10];
	[tilespmem:s20+$0x0] =	vst v4  }
0xf4: {  	v2 =	vld.idx.msk [tilespmem:v2+s15+$0x0], $0xffff  }
0xf5: {  	v4 =	vld [tilespmem:s21+$0xFFFFFFE0];
	_ =	sdelay $0x1  }
0xf6: {  	v6 =	vld [tilespmem:s21+$0x0];
	_ =	sdelay $0x1  }
0xf7: {  	v5 =	vmul.f32 v5, v2  }
0xf8: {  	v4 =	vmul.f32 v4, v2  }
0xf9: {  	v3 =	vmul.f32 v3, v2;
	[tilespmem:s21+$0x10] =	vst v5  }
0xfa: {  	s18 =	sadd.s32 $0x1, s18;
	v2 =	vmul.f32 v6, v2;
	[tilespmem:s21+$0xFFFFFFE0] =	vst v4  }
0xfb: {  	p1 =	sne.s32 s18, $0x7D;
	[tilespmem:s21+$0xFFFFFFF0] =	vst v3  }
.Ltmp3:
0xfc: {  	[tilespmem:s21+$0x0] =	vst v2;
	(pc) =	sbr.rel @p1 .LBB2_6-.Ltmp3, $4  }
0xfd: {  	[spmem:s9] =	stream.indirect.scatter.add.f32 [tilespmem:s11], [sflag:$0x2], $0x40, s19, s10, $0xb8;
	[tilespmem:$0x187F0] =	vst v63  }
0xfe: {  	_ =	swait.ge [sflag:s5], $0x1400  }
0xff: {  	[sflag:s5] =	ssyncset.done $0x0  }
0x100: {  	[sflag:s5] =	ssyncadd.s32 $0xFFFFEC00  }
0x101: {  	[bflag:$0x0] =	sbarrier.arrive $0xFFFF  }
0x102: {  	s17 =	rddreg [dreg:$0x10]  }
0x103: {  	[hbm4b:s17+s1] =	stream.linear.scatter [tilespmem:s13], [sflag:$0x2], $0x2710, $0x38;
	[tilespmem:$0x187F0] =	vst v63  }
0x104: {  	s21 =	stileid.u32;
	_ =	swait.ge [sflag:s5], $0x2710  }
0x105: {  	s17 =	sshll.u32 s21, $0x6;
	[sflag:s5] =	ssyncset.done $0x0  }
0x106: {  	s17 =	sor.u32 $0x1C02, s17;
	s18 =	rddreg [dreg:$0x3];
	[sflag:s5] =	ssyncadd.s32 $0xFFFFD8F0  }
0x107: {  	[hbm:s18], [sflag:s17] =	dma.local [spmem:s29], $0x280  }
0x108: {  	_ =	swait.ge [sflag:s5], $0x280  }
0x109: {  	[sflag:s5] =	ssyncset.done $0x0  }
0x10a: {  	s22 =	rddreg [dreg:$0x4];
	[sflag:s5] =	ssyncadd.s32 $0xFFFFFD80  }
0x10b: {  	[hbm:s22], [sflag:s17] =	dma.local [spmem:s30], $0x280  }
0x10c: {  	_ =	swait.ge [sflag:s5], $0x280  }
0x10d: {  	[sflag:s5] =	ssyncset.done $0x0  }
0x10e: {  	s23 =	rddreg [dreg:$0x5];
	[sflag:s5] =	ssyncadd.s32 $0xFFFFFD80  }
0x10f: {  	[hbm:s23], [sflag:s17] =	dma.local [spmem:s31], $0x280  }
0x110: {  	_ =	swait.ge [sflag:s5], $0x280  }
0x111: {  	[sflag:s5] =	ssyncset.done $0x0  }
0x112: {  	s19 =	rddreg [dreg:$0x6];
	[sflag:s5] =	ssyncadd.s32 $0xFFFFFD80  }
0x113: {  	[hbm:s19], [sflag:s17] =	dma.local [spmem:s8], $0x280  }
0x114: {  	_ =	swait.ge [sflag:s5], $0x280  }
0x115: {  	[sflag:s5] =	ssyncset.done $0x0  }
0x116: {  	s20 =	rddreg [dreg:$0x7];
	[sflag:s5] =	ssyncadd.s32 $0xFFFFFD80  }
0x117: {  	[hbm:s20], [sflag:s17] =	dma.local [spmem:s0], $0x280  }
0x118: {  	_ =	swait.ge [sflag:s5], $0x280  }
0x119: {  	[sflag:s5] =	ssyncset.done $0x0  }
0x11a: {  	s21 =	rddreg [dreg:$0x8];
	[sflag:s5] =	ssyncadd.s32 $0xFFFFFD80  }
0x11b: {  	[hbm:s21], [sflag:s17] =	dma.local [spmem:s2], $0x280  }
0x11c: {  	_ =	swait.ge [sflag:s5], $0x280  }
0x11d: {  	[sflag:s5] =	ssyncset.done $0x0  }
0x11e: {  	s22 =	rddreg [dreg:$0x9];
	[sflag:s5] =	ssyncadd.s32 $0xFFFFFD80  }
0x11f: {  	[hbm:s22], [sflag:s17] =	dma.local [spmem:s3], $0x280  }
0x120: {  	_ =	swait.ge [sflag:s5], $0x280  }
0x121: {  	[sflag:s5] =	ssyncset.done $0x0  }
0x122: {  	s18 =	rddreg [dreg:$0xa];
	[sflag:s5] =	ssyncadd.s32 $0xFFFFFD80  }
0x123: {  	[hbm:s18], [sflag:s17] =	dma.local @!p0 [spmem:s4], $0x280  }
0x124: {  	s17 =	simm.s32 @!p0 $0x2  }
0x125: {  	_ =	swait.ge @!p0 [sflag:s17], $0x280  }
0x126: {  	s16 =	sadd.s32 $0x1, s16;
	s23 =	rddreg [dreg:$0x11]  }
0x127: {  	p1 =	sne.s32 s16, s23  }
.Ltmp4:
0x128: {  	_ = 	snop;
	(pc) =	sbr.rel @p1 .LBB2_1-.Ltmp4, $3  }
0x129: {  	_ =	sdelay $0x1  }
0x12a: {  	[sflag:s17] =	ssyncset.done @!p0 $0x0  }
0x12b: {  	[sflag:s17] =	ssyncadd.s32 @!p0 $0xFFFFFD80  }
0x12c: {  	_ =	sfence.sel $0x180000  }
0x12d: {  	[bflag:$0x0] =	sbarrier.arrive $0xFFFF  }
0x12e: {  	_ =	strace $0x90000047  }
0x12f: {  	s0 =	stileid.u32;
	[bflag:$0x2] =	sbarrier.arrive $0xFFFF  }
0x130: {  	p0 =	sne.s32 s0, $0x0;
	s0 =	rddreg [dreg:$0x2]  }
0x131: {  	s0 =	sadd.s32 @!p0 $0x100000, s0  }
0x132: {  	[sflag:s0] =	ssyncadd.tile.s32 @!p0 $0x1;
	_ =	shalt  }
.Lfunc_end2:
_tile_overlayer_lowered:
.L_overlay_start_2:
0x133: {  	(tag) =	ssettag $0x2  }
0x134: {  	s0 =	rddreg [dreg:$0x0];
	s2 =	stileid.u32  }
0x135: {  	s1 =	rddreg [dreg:$0x1];
	p0 =	sne.s32 s2, $0x0  }
0x136: {  	s3 =	rddreg [dreg:$0x2];
	[bflag:$0x3] =	sbarrier.arrive $0xFFFF;
	s2 =	simm.s32 @!p0 $0x1C02  }
0x137: {  	[timem:s3], [sflag:s2] =	dma.local @!p0 [hbm:s0], s1  }
0x138: {  	s0 =	simm.s32 @!p0 $0x2  }
0x139: {  	_ =	swait.ge @!p0 [sflag:s0], s1  }
0x13a: {  	s1 =	ssub.s32 @!p0 $0x0, s1;
	[sflag:s0] =	ssyncset.done @!p0 $0x0  }
0x13b: {  	[sflag:s0] =	ssyncadd.s32 @!p0 s1  }
0x13c: {  	[bflag:$0x3] =	sbarrier.arrive $0xFFFF  }
0x13d: {  	_ =	shalt  }

</sc_bundles>
